<compile_context>
chip_gen: v7x
topology: tpu7x:2x2x1
jax: 0.10.2.dev20260603
libtpu: 0.0.44.dev20260713+nightly
codegen_flags: <defaults>
</compile_context>

<pallas_src>
import functools

import jax
import jax.numpy as jnp
from jax.experimental import pallas as pl
from jax.experimental.pallas import tpu as pltpu

N_RAW = 5000
N = 5120
T = 256
NT = N // T
CONF_C = 0.25
CONF_P = 0.001
IOU_THR = 0.45
MAX_WH = 4096.0
CAP_C = 1000.0


def _prep_kernel(x_ref, conf_ref, valid_ref, boxt_ref, *, conf_thres):
    xt = x_ref[0]
    obj = xt[4:5, :]
    scores = xt[5:85, :] * obj
    conf = jnp.max(scores, axis=0, keepdims=True)
    ji = jax.lax.broadcasted_iota(jnp.int32, (80, N), 0).astype(jnp.float32)
    cls = jnp.min(jnp.where(scores == conf, ji, 1e9), axis=0, keepdims=True)
    valid = (obj > conf_thres) & (conf > conf_thres)
    xc, yc = xt[0:1, :], xt[1:2, :]
    w2, h2 = xt[2:3, :] * 0.5, xt[3:4, :] * 0.5
    x1 = xc - w2
    y1 = yc - h2
    x2 = xc + w2
    y2 = yc + h2
    conf_ref[0] = conf
    valid_ref[0] = valid.astype(jnp.float32)
    boxt_ref[0] = jnp.concatenate([x1, y1, x2, y2, cls], axis=0)


def _tile_coords(rb_ref, cbt_ref, r0, c0, offset):
    roff = rb_ref[0, pl.ds(r0, T), 4:5] * MAX_WH if offset else 0.0
    coff = cbt_ref[0, 4:5, pl.ds(c0, T)] * MAX_WH if offset else 0.0
    rx1 = rb_ref[0, pl.ds(r0, T), 0:1] + roff
    ry1 = rb_ref[0, pl.ds(r0, T), 1:2] + roff
    rx2 = rb_ref[0, pl.ds(r0, T), 2:3] + roff
    ry2 = rb_ref[0, pl.ds(r0, T), 3:4] + roff
    cx1 = cbt_ref[0, 0:1, pl.ds(c0, T)] + coff
    cy1 = cbt_ref[0, 1:2, pl.ds(c0, T)] + coff
    cx2 = cbt_ref[0, 2:3, pl.ds(c0, T)] + coff
    cy2 = cbt_ref[0, 3:4, pl.ds(c0, T)] + coff
    iw = jnp.maximum(jnp.minimum(rx2, cx2) - jnp.maximum(rx1, cx1), 0.0)
    ih = jnp.maximum(jnp.minimum(ry2, cy2) - jnp.maximum(ry1, cy1), 0.0)
    inter = iw * ih
    ra = (rx2 - rx1) * (ry2 - ry1)
    ca = (cx2 - cx1) * (cy2 - cy1)
    return inter, ra, ca


def _iou_block(rb_ref, cbt_ref, r0, c0, offset):
    inter, ra, ca = _tile_coords(rb_ref, cbt_ref, r0, c0, offset)
    return inter / (ra + ca - inter)


def _sup_block(rb_ref, cbt_ref, r0, c0):
    inter, ra, ca = _tile_coords(rb_ref, cbt_ref, r0, c0, True)
    denom = (ra + ca) - inter
    return ((inter > IOU_THR * denom) | (denom == 0.0)).astype(jnp.float32)


def _rowdot(k, m):
    return jnp.dot(k, m, preferred_element_type=jnp.float32)


def _nms(b_ref, bt_ref, v_ref, keep_ref, sm_ref, cap):
    keep_ref[...] = jnp.zeros((1, N), jnp.float32)
    sm_ref[0] = 0.0

    def tile_body(t, carry):
        c0 = t * T

        @pl.when((sm_ref[0] < cap) if cap is not None else (t >= 0))
        def _():
            v = v_ref[0, 0:1, pl.ds(c0, T)]

            def cross_body(u, sup):
                ku = keep_ref[0:1, pl.ds(u * T, T)]
                return sup + _rowdot(ku, _sup_block(b_ref, bt_ref, u * T, c0))

            sup = jax.lax.fori_loop(0, t, cross_body,
                                    jnp.zeros((1, T), jnp.float32))
            v2 = jnp.where(sup == 0.0, v, 0.0)

            ii = jax.lax.broadcasted_iota(jnp.int32, (T, T), 0)
            jj = jax.lax.broadcasted_iota(jnp.int32, (T, T), 1)
            s_mat = jnp.where(ii < jj, _sup_block(b_ref, bt_ref, c0, c0), 0.0)

            def cond(st):
                return st[1]

            def body(st):
                k, _ = st
                k2 = jnp.where(_rowdot(k, s_mat) == 0.0, v2, 0.0)
                return k2, jnp.any(k2 != k)

            k, _ = jax.lax.while_loop(cond, body, (v2, jnp.bool_(True)))
            if cap is not None:
                u_incl = (ii <= jj).astype(jnp.float32)
                pref = _rowdot(k, u_incl)
                k = jnp.where(sm_ref[0] + pref <= cap, k, 0.0)
            keep_ref[0:1, pl.ds(c0, T)] = k
            sm_ref[0] += jnp.sum(k)

        return carry

    jax.lax.fori_loop(0, NT, tile_body, 0)


def _main_kernel(cb_ref, cbt_ref, cv_ref, pb_ref, pbt_ref, pv_ref,
                 tot_ref, cnt_ref, kc_ref, kp_ref, sm_ref):
    _nms(cb_ref, cbt_ref, cv_ref, kc_ref, sm_ref, CAP_C)
    _nms(pb_ref, pbt_ref, pv_ref, kp_ref, sm_ref, None)

    sm_ref[1] = 0.0

    def clean_body(jc, carry):
        kc = kc_ref[0:1, pl.ds(jc * T, T)]

        @pl.when(jnp.sum(kc) > 0.0)
        def _():
            rcls = cb_ref[0, pl.ds(jc * T, T), 4:5]

            def patch_body(ip, vmax):
                kp = kp_ref[0:1, pl.ds(ip * T, T)]
                ccls = pbt_ref[0, 4:5, pl.ds(ip * T, T)]
                blk = _iou_block(cb_ref, pbt_ref, jc * T, ip * T, False)
                blk = jnp.where((kp > 0.0) & (rcls == ccls), blk, 0.0)
                return jnp.maximum(vmax, jnp.max(blk, axis=1, keepdims=True))

            vmax = jax.lax.fori_loop(0, NT, patch_body,
                                     jnp.zeros((T, 1), jnp.float32))
            sm_ref[1] += _rowdot(kc, vmax)[0, 0]

        return carry

    jax.lax.fori_loop(0, NT, clean_body, 0)
    cnt = jnp.sum(kc_ref[...])
    tot_ref[0] = jnp.full((1, 128), sm_ref[1], jnp.float32)
    cnt_ref[0] = jnp.full((1, 128), cnt, jnp.float32)


def _prep(xt, conf_thres):
    b = xt.shape[0]
    kfn = functools.partial(_prep_kernel, conf_thres=conf_thres)
    return pl.pallas_call(
        kfn,
        grid=(b,),
        in_specs=[pl.BlockSpec((1, 85, N), lambda i: (i, 0, 0))],
        out_specs=[
            pl.BlockSpec((1, 1, N), lambda i: (i, 0, 0)),
            pl.BlockSpec((1, 1, N), lambda i: (i, 0, 0)),
            pl.BlockSpec((1, 5, N), lambda i: (i, 0, 0)),
        ],
        out_shape=[
            jax.ShapeDtypeStruct((b, 1, N), jnp.float32),
            jax.ShapeDtypeStruct((b, 1, N), jnp.float32),
            jax.ShapeDtypeStruct((b, 5, N), jnp.float32),
        ],
    )(xt)


def _order_gather(conf, valid, boxt):
    key = jnp.where(valid[:, 0, :] > 0, -conf[:, 0, :], jnp.inf)
    order = jnp.argsort(key, axis=1, stable=True)
    bt = jnp.take_along_axis(boxt, order[:, None, :], axis=2)
    v = jnp.take_along_axis(valid, order[:, None, :], axis=2)
    return jnp.transpose(bt, (0, 2, 1)), bt, v


def kernel(output_clean, output_patch):
    x = jnp.concatenate([output_clean, output_patch], axis=0)
    x = jnp.pad(x, ((0, 0), (0, N - N_RAW), (0, 0)))
    xt = jnp.transpose(x, (0, 2, 1))
    b = output_clean.shape[0]

    cb, cbt, cv = _order_gather(*_prep(xt[:b], CONF_C))
    pb, pbt, pv = _order_gather(*_prep(xt[b:], CONF_P))

    spec_b = pl.BlockSpec((1, N, 5), lambda i: (i, 0, 0))
    spec_bt = pl.BlockSpec((1, 5, N), lambda i: (i, 0, 0))
    spec_v = pl.BlockSpec((1, 1, N), lambda i: (i, 0, 0))
    spec_o = pl.BlockSpec((1, 1, 128), lambda i: (i, 0, 0))
    tot, cnt = pl.pallas_call(
        _main_kernel,
        grid=(b,),
        in_specs=[spec_b, spec_bt, spec_v, spec_b, spec_bt, spec_v],
        out_specs=[spec_o, spec_o],
        out_shape=[
            jax.ShapeDtypeStruct((b, 1, 128), jnp.float32),
            jax.ShapeDtypeStruct((b, 1, 128), jnp.float32),
        ],
        scratch_shapes=[
            pltpu.VMEM((1, N), jnp.float32),
            pltpu.VMEM((1, N), jnp.float32),
            pltpu.SMEM((2,), jnp.float32),
        ],
    )(cb, cbt, cv, pb, pbt, pv)

    tsum = jnp.sum(tot[:, 0, 0])
    csum = jnp.sum(cnt[:, 0, 0])
    return jnp.where(csum > 0,
                     jnp.float32(1.0) - tsum / jnp.maximum(csum, 1.0),
                     jnp.float32(1.0))

# --- scband reference (transcript-rebuilt; emitter-appended) ---
"""Pipeline reference for scband-io-u-36696200577234 (READ-ONLY COPY).

The authoritative reference and input builder live on the scoring server;
editing this copy changes nothing except your own understanding.
"""

import jax, jax.numpy as jnp
import numpy as np

CONF_THRESHOLD = 0.25
IOU_THRESHOLD = 0.45
IMG_SIZE = (640, 640)
MAX_WH = 4096.0
MAX_NMS = 30000


def _xywh2xyxy_np(x):
    y = np.copy(x)
    y[:, 0] = x[:, 0] - x[:, 2] / 2
    y[:, 1] = x[:, 1] - x[:, 3] / 2
    y[:, 2] = x[:, 0] + x[:, 2] / 2
    y[:, 3] = x[:, 1] + x[:, 3] / 2
    return y


def _nms_np(boxes, scores, iou_thres, max_keep):
    # Greedy NMS identical to torchvision.ops.nms (descending score order),
    # truncated at max_keep (equivalent to full NMS followed by i[:max_det]).
    x1, y1, x2, y2 = boxes[:, 0], boxes[:, 1], boxes[:, 2], boxes[:, 3]
    areas = (x2 - x1) * (y2 - y1)
    order = np.argsort(-scores, kind='stable')
    keep = []
    while order.size > 0 and len(keep) < max_keep:
        i = order[0]
        keep.append(i)
        rest = order[1:]
        xx1 = np.maximum(x1[i], x1[rest])
        yy1 = np.maximum(y1[i], y1[rest])
        xx2 = np.minimum(x2[i], x2[rest])
        yy2 = np.minimum(y2[i], y2[rest])
        inter = np.maximum(0.0, xx2 - xx1) * np.maximum(0.0, yy2 - yy1)
        iou = inter / (areas[i] + areas[rest] - inter)
        order = rest[iou <= iou_thres]
    return np.asarray(keep, dtype=np.int64)


def _nms_indices(pred, conf_thres, iou_thres, max_det):
    # Faithful port of non_max_suppression (multi_label=False, agnostic=False, no labels,
    # merge=False). Returns per-image (orig row indices, class ids) of kept detections.
    metas = []
    for xi in range(pred.shape[0]):
        x = pred[xi]
        cand = np.nonzero(x[:, 4] > conf_thres)[0]
        if cand.size == 0:
            metas.append((np.zeros(0, np.int64), np.zeros(0, np.int64)))
            continue
        xs = x[cand].copy()
        xs[:, 5:] = xs[:, 5:] * xs[:, 4:5]
        box = _xywh2xyxy_np(xs[:, :4])
        conf = xs[:, 5:].max(1)
        cls = xs[:, 5:].argmax(1)
        m = conf > conf_thres
        cand, box, conf, cls = cand[m], box[m], conf[m], cls[m]
        if cand.size == 0:
            metas.append((np.zeros(0, np.int64), np.zeros(0, np.int64)))
            continue
        if cand.size > MAX_NMS:
            o = np.argsort(-conf, kind='stable')[:MAX_NMS]
            cand, box, conf, cls = cand[o], box[o], conf[o], cls[o]
        offset = cls.astype(np.float32)[:, None] * MAX_WH  # class-aware NMS offset
        keep = _nms_np(box + offset, conf, iou_thres, max_det)
        metas.append((cand[keep].astype(np.int64), cls[keep].astype(np.int64)))
    return metas


def _xywh2xyxy_jnp(x):
    return jnp.stack([x[:, 0] - x[:, 2] / 2, x[:, 1] - x[:, 3] / 2,
                      x[:, 0] + x[:, 2] / 2, x[:, 1] + x[:, 3] / 2], axis=1)


def _iou_jnp(a, b):
    # IoU.get_iou / IoU.intersect: a [A,4], b [B,4] -> [A,B]
    max_xy = jnp.minimum(a[:, None, 2:], b[None, :, 2:])
    min_xy = jnp.maximum(a[:, None, :2], b[None, :, :2])
    inter = jnp.clip(max_xy - min_xy, 0.0)
    inter = inter[:, :, 0] * inter[:, :, 1]
    area_a = ((a[:, 2] - a[:, 0]) * (a[:, 3] - a[:, 1]))[:, None]
    area_b = ((b[:, 2] - b[:, 0]) * (b[:, 3] - b[:, 1]))[None, :]
    return inter / (area_a + area_b - inter)


def _loss(output_clean, output_patch, clean_meta, patch_meta):
    # Vectorized but mathematically identical to the per-clean-detection torch loop:
    # for each kept clean det, target = max IoU over kept patch dets of the same class
    # (0 if none); loss = 1 - mean over all clean dets.
    gn = jnp.array([IMG_SIZE[1], IMG_SIZE[0], IMG_SIZE[1], IMG_SIZE[0]], dtype=jnp.float32)
    batch_loss = []
    for xi in range(output_clean.shape[0]):
        c_idx, c_cls = clean_meta[xi]
        p_idx, p_cls = patch_meta[xi]
        if c_idx.size == 0:
            continue
        c_box = _xywh2xyxy_jnp(output_clean[xi][c_idx][:, :4]) / gn
        if p_idx.size == 0:
            batch_loss.append(jnp.zeros((int(c_idx.size),), jnp.float32))
            continue
        p_box = _xywh2xyxy_jnp(output_patch[xi][p_idx][:, :4]) / gn
        iou = _iou_jnp(p_box, c_box)  # [P, C]
        mask = jnp.asarray(p_cls[:, None] == c_cls[None, :])
        mx = jnp.max(jnp.where(mask, iou, -jnp.inf), axis=0)
        batch_loss.append(jnp.where(jnp.any(mask, axis=0), mx, 0.0))
    if not batch_loss:
        return jnp.asarray(1.0, dtype=jnp.float32)
    return jnp.asarray(1.0, dtype=jnp.float32) - jnp.concatenate(batch_loss).mean()


def _nms_keep_jnp(x, conf_thres, iou_thres, max_keep):
    # Fixed-shape masked equivalent of _nms_indices for one image x [N, 85]:
    # returns (keep mask [N] bool over original rows, class id per row [N]).
    # N is static and <= MAX_NMS, so the MAX_NMS truncation branch never applies.
    n = x.shape[0]
    obj = x[:, 4]
    scores = x[:, 5:] * obj[:, None]
    conf = jnp.max(scores, axis=1)
    cls = jnp.argmax(scores, axis=1)
    valid = (obj > conf_thres) & (conf > conf_thres)
    box = _xywh2xyxy_jnp(x[:, :4])
    off = box + cls.astype(jnp.float32)[:, None] * MAX_WH  # class-aware NMS offset
    areas = (off[:, 2] - off[:, 0]) * (off[:, 3] - off[:, 1])
    # Stable ascending sort of -conf with invalid rows pushed to the end reproduces
    # np.argsort(-scores, kind='stable') restricted to the candidate subset.
    order = jnp.argsort(jnp.where(valid, -conf, jnp.inf), stable=True)

    def body(t, state):
        keep, sup, cnt = state
        i = order[t]
        can = valid[i] & (~sup[i]) & (cnt < max_keep)
        xx1 = jnp.maximum(off[i, 0], off[:, 0])
        yy1 = jnp.maximum(off[i, 1], off[:, 1])
        xx2 = jnp.minimum(off[i, 2], off[:, 2])
        yy2 = jnp.minimum(off[i, 3], off[:, 3])
        inter = jnp.maximum(0.0, xx2 - xx1) * jnp.maximum(0.0, yy2 - yy1)
        iou = inter / (areas[i] + areas - inter)
        # original retains rest[iou <= thres]; everything else is removed
        sup_new = ~(iou <= iou_thres)
        keep = keep.at[i].set(can)
        sup = jnp.where(can, sup | sup_new, sup)
        cnt = cnt + can.astype(jnp.int32)
        return keep, sup, cnt

    keep0 = jnp.zeros((n,), dtype=bool)
    sup0 = jnp.zeros((n,), dtype=bool)
    keep, _, _ = jax.lax.fori_loop(0, n, body, (keep0, sup0, jnp.int32(0)))
    return keep, cls


def setup_inputs(seed: int = 0):
    key = jax.random.key(seed)
    k1, k2 = jax.random.split(key)
    output_clean = jax.random.uniform(k1, (4, 5000, 85), dtype=jnp.float32)
    output_patch = jax.random.uniform(k2, (4, 5000, 85), dtype=jnp.float32)
    return {'output_clean': output_clean, 'output_patch': output_patch}


def reference(output_clean, output_patch):
    # Note: the original also runs a third NMS pass only to count detections
    # (final_preds_batch); it does not affect the returned loss, so it is omitted.
    gn = jnp.array([IMG_SIZE[1], IMG_SIZE[0], IMG_SIZE[1], IMG_SIZE[0]], dtype=jnp.float32)
    total = jnp.asarray(0.0, dtype=jnp.float32)
    count = jnp.asarray(0, dtype=jnp.int32)
    for xi in range(output_clean.shape[0]):
        c_keep, c_cls = _nms_keep_jnp(output_clean[xi], CONF_THRESHOLD, IOU_THRESHOLD, 1000)
        p_keep, p_cls = _nms_keep_jnp(output_patch[xi], 0.001, IOU_THRESHOLD, 30000)
        c_box = _xywh2xyxy_jnp(output_clean[xi][:, :4]) / gn
        p_box = _xywh2xyxy_jnp(output_patch[xi][:, :4]) / gn
        iou = _iou_jnp(p_box, c_box)  # [P, C] over all rows
        mask = (p_cls[:, None] == c_cls[None, :]) & p_keep[:, None] & c_keep[None, :]
        mx = jnp.max(jnp.where(mask, iou, -jnp.inf), axis=0)
        val = jnp.where(jnp.any(mask, axis=0), mx, 0.0)
        # kept clean dets with no same-class kept patch det contribute 0 (as do
        # images whose patch set is empty); images with no clean dets add nothing
        total = total + jnp.sum(jnp.where(c_keep, val, 0.0))
        count = count + jnp.sum(c_keep).astype(jnp.int32)
    mean = total / jnp.maximum(count, 1).astype(jnp.float32)
    return jnp.where(count > 0,
                     jnp.asarray(1.0, dtype=jnp.float32) - mean,
                     jnp.asarray(1.0, dtype=jnp.float32))

if __name__ == "__main__":
    import jax
    _d = setup_inputs()
    print(jax.jit(kernel)(*tuple(_d.values())))

</pallas_src>

<mosaic_0001>
module attributes {stable_mosaic.version = 14 : i64} {
  func.func @_prep_kernel(%arg0: i32, %arg1: memref<1x85x5120xf32, #tpu.memory_space<vmem>>, %arg2: memref<1x1x5120xf32, #tpu.memory_space<vmem>>, %arg3: memref<1x1x5120xf32, #tpu.memory_space<vmem>>, %arg4: memref<1x5x5120xf32, #tpu.memory_space<vmem>>) attributes {dimension_semantics = [#tpu.dimension_semantics<arbitrary>], iteration_bounds = array<i64: 4>, scalar_prefetch = 0 : i64, scratch_operands = 0 : i64, tpu.core_type = #tpu.core_type<tc>, window_params = [{transform_indices = @transform_0, window_bounds = array<i64: 1, 85, 5120>}, {transform_indices = @transform_1, window_bounds = array<i64: 1, 1, 5120>}, {transform_indices = @transform_2, window_bounds = array<i64: 1, 1, 5120>}, {transform_indices = @transform_3, window_bounds = array<i64: 1, 5, 5120>}]} {
    %get3A = arith.constant 0 : index
    %get3A_0 = arith.constant 0 : index
    %get3A_1 = arith.constant 0 : index
    %get3A_2 = vector.load %arg1[%get3A, %get3A_0, %get3A_1] : memref<1x85x5120xf32, #tpu.memory_space<vmem>>, vector<1x85x5120xf32>
    %get3A_3 = vector.shape_cast %get3A_2 : vector<1x85x5120xf32> to vector<85x5120xf32>
    %slice3A = vector.extract_strided_slice %get3A_3 {offsets = [4, 0], sizes = [1, 5120], strides = [1, 1]} : vector<85x5120xf32> to vector<1x5120xf32>
    %slice3A_4 = vector.extract_strided_slice %get3A_3 {offsets = [5, 0], sizes = [80, 5120], strides = [1, 1]} : vector<85x5120xf32> to vector<80x5120xf32>
    %mul3A = vector.broadcast %slice3A : vector<1x5120xf32> to vector<80x5120xf32>
    %mul3A_5 = arith.mulf %slice3A_4, %mul3A : vector<80x5120xf32>
    %reduce_max3A = arith.constant dense<0xFF800000> : vector<5120xf32>
    %reduce_max3A_6 = vector.multi_reduction <maximumf>, %mul3A_5, %reduce_max3A [0] : vector<80x5120xf32> to vector<5120xf32>
    %broadcast_in_dim3A = vector.shape_cast %reduce_max3A_6 : vector<5120xf32> to vector<1x5120xf32>
    %iota3A = tpu.iota {dimensions = array<i32: 0>} : vector<80x5120xi32>
    %convert_element_type3A = arith.sitofp %iota3A : vector<80x5120xi32> to vector<80x5120xf32>
    %eq3A = vector.broadcast %broadcast_in_dim3A : vector<1x5120xf32> to vector<80x5120xf32>
    %eq3A_7 = arith.cmpf oeq, %mul3A_5, %eq3A : vector<80x5120xf32>
    %jit3A = arith.constant 1.000000e+09 : f32
    %broadcast_in_dim3A_8 = vector.broadcast %jit3A : f32 to vector<80x5120xf32>
    %select_n3A = arith.select %eq3A_7, %convert_element_type3A, %broadcast_in_dim3A_8 : vector<80x5120xi1>, vector<80x5120xf32>
    %reduce_min3A = arith.constant dense<0x7F800000> : vector<5120xf32>
    %reduce_min3A_9 = vector.multi_reduction <minimumf>, %select_n3A, %reduce_min3A [0] : vector<80x5120xf32> to vector<5120xf32>
    %broadcast_in_dim3A_10 = vector.shape_cast %reduce_min3A_9 : vector<5120xf32> to vector<1x5120xf32>
    %gt3A = arith.constant 1.000000e-03 : f32
    %gt3A_11 = vector.broadcast %gt3A : f32 to vector<1x5120xf32>
    %gt3A_12 = arith.cmpf ogt, %slice3A, %gt3A_11 : vector<1x5120xf32>
    %gt3A_13 = arith.constant 1.000000e-03 : f32
    %gt3A_14 = vector.broadcast %gt3A_13 : f32 to vector<1x5120xf32>
    %gt3A_15 = arith.cmpf ogt, %broadcast_in_dim3A, %gt3A_14 : vector<1x5120xf32>
    %and3A = arith.andi %gt3A_12, %gt3A_15 : vector<1x5120xi1>
    %slice3A_16 = vector.extract_strided_slice %get3A_3 {offsets = [0, 0], sizes = [1, 5120], strides = [1, 1]} : vector<85x5120xf32> to vector<1x5120xf32>
    %slice3A_17 = vector.extract_strided_slice %get3A_3 {offsets = [1, 0], sizes = [1, 5120], strides = [1, 1]} : vector<85x5120xf32> to vector<1x5120xf32>
    %slice3A_18 = vector.extract_strided_slice %get3A_3 {offsets = [2, 0], sizes = [1, 5120], strides = [1, 1]} : vector<85x5120xf32> to vector<1x5120xf32>
    %mul3A_19 = arith.constant 5.000000e-01 : f32
    %mul3A_20 = vector.broadcast %mul3A_19 : f32 to vector<1x5120xf32>
    %mul3A_21 = arith.mulf %slice3A_18, %mul3A_20 : vector<1x5120xf32>
    %slice3A_22 = vector.extract_strided_slice %get3A_3 {offsets = [3, 0], sizes = [1, 5120], strides = [1, 1]} : vector<85x5120xf32> to vector<1x5120xf32>
    %mul3A_23 = arith.constant 5.000000e-01 : f32
    %mul3A_24 = vector.broadcast %mul3A_23 : f32 to vector<1x5120xf32>
    %mul3A_25 = arith.mulf %slice3A_22, %mul3A_24 : vector<1x5120xf32>
    %sub3A = arith.subf %slice3A_16, %mul3A_21 : vector<1x5120xf32>
    %sub3A_26 = arith.subf %slice3A_17, %mul3A_25 : vector<1x5120xf32>
    %add3A = arith.addf %slice3A_16, %mul3A_21 : vector<1x5120xf32>
    %add3A_27 = arith.addf %slice3A_17, %mul3A_25 : vector<1x5120xf32>
    %swap3A = arith.constant 0 : index
    %swap3A_28 = arith.constant 0 : index
    %swap3A_29 = arith.constant 0 : index
    %swap3A_30 = vector.load %arg2[%swap3A, %swap3A_28, %swap3A_29] : memref<1x1x5120xf32, #tpu.memory_space<vmem>>, vector<1x1x5120xf32>
    %swap3A_31 = vector.shape_cast %swap3A_30 : vector<1x1x5120xf32> to vector<1x5120xf32>
    %swap3A_32 = vector.shape_cast %broadcast_in_dim3A : vector<1x5120xf32> to vector<1x1x5120xf32>
    tpu.vector_store %arg2[%swap3A, %swap3A_28, %swap3A_29], %swap3A_32 {strides = array<i32>} : memref<1x1x5120xf32, #tpu.memory_space<vmem>>, vector<1x1x5120xf32>,
    %convert_element_type3A_33 = arith.extui %and3A : vector<1x5120xi1> to vector<1x5120xi32>
    %convert_element_type3A_34 = arith.sitofp %convert_element_type3A_33 : vector<1x5120xi32> to vector<1x5120xf32>
    %swap3A_35 = arith.constant 0 : index
    %swap3A_36 = arith.constant 0 : index
    %swap3A_37 = arith.constant 0 : index
    %swap3A_38 = vector.load %arg3[%swap3A_35, %swap3A_36, %swap3A_37] : memref<1x1x5120xf32, #tpu.memory_space<vmem>>, vector<1x1x5120xf32>
    %swap3A_39 = vector.shape_cast %swap3A_38 : vector<1x1x5120xf32> to vector<1x5120xf32>
    %swap3A_40 = vector.shape_cast %convert_element_type3A_34 : vector<1x5120xf32> to vector<1x1x5120xf32>
    tpu.vector_store %arg3[%swap3A_35, %swap3A_36, %swap3A_37], %swap3A_40 {strides = array<i32>} : memref<1x1x5120xf32, #tpu.memory_space<vmem>>, vector<1x1x5120xf32>,
    %concatenate3A = tpu.concatenate %sub3A, %sub3A_26, %add3A, %add3A_27, %broadcast_in_dim3A_10 in 0 : vector<1x5120xf32>, vector<1x5120xf32>, vector<1x5120xf32>, vector<1x5120xf32>, vector<1x5120xf32> -> vector<5x5120xf32>
    %swap3A_41 = arith.constant 0 : index
    %swap3A_42 = arith.constant 0 : index
    %swap3A_43 = arith.constant 0 : index
    %swap3A_44 = vector.load %arg4[%swap3A_41, %swap3A_42, %swap3A_43] : memref<1x5x5120xf32, #tpu.memory_space<vmem>>, vector<1x5x5120xf32>
    %swap3A_45 = vector.shape_cast %swap3A_44 : vector<1x5x5120xf32> to vector<5x5120xf32>
    %swap3A_46 = vector.shape_cast %concatenate3A : vector<5x5120xf32> to vector<1x5x5120xf32>
    tpu.vector_store %arg4[%swap3A_41, %swap3A_42, %swap3A_43], %swap3A_46 {strides = array<i32>} : memref<1x5x5120xf32, #tpu.memory_space<vmem>>, vector<1x5x5120xf32>,
    return
  }
  func.func @transform_0(%arg0: i32) -> (i32, i32, i32) {
    %c0_i32 = arith.constant 0 : i32
    %c0_i32_0 = arith.constant 0 : i32
    %c0_i32_1 = arith.constant 0 : i32
    return %arg0, %c0_i32, %c0_i32_0 : i32, i32, i32
  }
  func.func @transform_1(%arg0: i32) -> (i32, i32, i32) {
    %c0_i32 = arith.constant 0 : i32
    %c0_i32_0 = arith.constant 0 : i32
    %c0_i32_1 = arith.constant 0 : i32
    return %arg0, %c0_i32, %c0_i32_0 : i32, i32, i32
  }
  func.func @transform_2(%arg0: i32) -> (i32, i32, i32) {
    %c0_i32 = arith.constant 0 : i32
    %c0_i32_0 = arith.constant 0 : i32
    %c0_i32_1 = arith.constant 0 : i32
    return %arg0, %c0_i32, %c0_i32_0 : i32, i32, i32
  }
  func.func @transform_3(%arg0: i32) -> (i32, i32, i32) {
    %c0_i32 = arith.constant 0 : i32
    %c0_i32_0 = arith.constant 0 : i32
    %c0_i32_1 = arith.constant 0 : i32
    return %arg0, %c0_i32, %c0_i32_0 : i32, i32, i32
  }
}

module attributes {stable_mosaic.version = 14 : i64} {
  func.func @_prep_kernel(%arg0: i32, %arg1: memref<1x85x5120xf32, #tpu.memory_space<vmem>>, %arg2: memref<1x1x5120xf32, #tpu.memory_space<vmem>>, %arg3: memref<1x1x5120xf32, #tpu.memory_space<vmem>>, %arg4: memref<1x5x5120xf32, #tpu.memory_space<vmem>>) attributes {dimension_semantics = [#tpu.dimension_semantics<arbitrary>], iteration_bounds = array<i64: 4>, scalar_prefetch = 0 : i64, scratch_operands = 0 : i64, tpu.core_type = #tpu.core_type<tc>, window_params = [{transform_indices = @transform_0, window_bounds = array<i64: 1, 85, 5120>}, {transform_indices = @transform_1, window_bounds = array<i64: 1, 1, 5120>}, {transform_indices = @transform_2, window_bounds = array<i64: 1, 1, 5120>}, {transform_indices = @transform_3, window_bounds = array<i64: 1, 5, 5120>}]} {
    %get3A = arith.constant 0 : index
    %get3A_0 = arith.constant 0 : index
    %get3A_1 = arith.constant 0 : index
    %get3A_2 = vector.load %arg1[%get3A, %get3A_0, %get3A_1] : memref<1x85x5120xf32, #tpu.memory_space<vmem>>, vector<1x85x5120xf32>
    %get3A_3 = vector.shape_cast %get3A_2 : vector<1x85x5120xf32> to vector<85x5120xf32>
    %slice3A = vector.extract_strided_slice %get3A_3 {offsets = [4, 0], sizes = [1, 5120], strides = [1, 1]} : vector<85x5120xf32> to vector<1x5120xf32>
    %slice3A_4 = vector.extract_strided_slice %get3A_3 {offsets = [5, 0], sizes = [80, 5120], strides = [1, 1]} : vector<85x5120xf32> to vector<80x5120xf32>
    %mul3A = vector.broadcast %slice3A : vector<1x5120xf32> to vector<80x5120xf32>
    %mul3A_5 = arith.mulf %slice3A_4, %mul3A : vector<80x5120xf32>
    %reduce_max3A = arith.constant dense<0xFF800000> : vector<5120xf32>
    %reduce_max3A_6 = vector.multi_reduction <maximumf>, %mul3A_5, %reduce_max3A [0] : vector<80x5120xf32> to vector<5120xf32>
    %broadcast_in_dim3A = vector.shape_cast %reduce_max3A_6 : vector<5120xf32> to vector<1x5120xf32>
    %iota3A = tpu.iota {dimensions = array<i32: 0>} : vector<80x5120xi32>
    %convert_element_type3A = arith.sitofp %iota3A : vector<80x5120xi32> to vector<80x5120xf32>
    %eq3A = vector.broadcast %broadcast_in_dim3A : vector<1x5120xf32> to vector<80x5120xf32>
    %eq3A_7 = arith.cmpf oeq, %mul3A_5, %eq3A : vector<80x5120xf32>
    %jit3A = arith.constant 1.000000e+09 : f32
    %broadcast_in_dim3A_8 = vector.broadcast %jit3A : f32 to vector<80x5120xf32>
    %select_n3A = arith.select %eq3A_7, %convert_element_type3A, %broadcast_in_dim3A_8 : vector<80x5120xi1>, vector<80x5120xf32>
    %reduce_min3A = arith.constant dense<0x7F800000> : vector<5120xf32>
    %reduce_min3A_9 = vector.multi_reduction <minimumf>, %select_n3A, %reduce_min3A [0] : vector<80x5120xf32> to vector<5120xf32>
    %broadcast_in_dim3A_10 = vector.shape_cast %reduce_min3A_9 : vector<5120xf32> to vector<1x5120xf32>
    %gt3A = arith.constant 2.500000e-01 : f32
    %gt3A_11 = vector.broadcast %gt3A : f32 to vector<1x5120xf32>
    %gt3A_12 = arith.cmpf ogt, %slice3A, %gt3A_11 : vector<1x5120xf32>
    %gt3A_13 = arith.constant 2.500000e-01 : f32
    %gt3A_14 = vector.broadcast %gt3A_13 : f32 to vector<1x5120xf32>
    %gt3A_15 = arith.cmpf ogt, %broadcast_in_dim3A, %gt3A_14 : vector<1x5120xf32>
    %and3A = arith.andi %gt3A_12, %gt3A_15 : vector<1x5120xi1>
    %slice3A_16 = vector.extract_strided_slice %get3A_3 {offsets = [0, 0], sizes = [1, 5120], strides = [1, 1]} : vector<85x5120xf32> to vector<1x5120xf32>
    %slice3A_17 = vector.extract_strided_slice %get3A_3 {offsets = [1, 0], sizes = [1, 5120], strides = [1, 1]} : vector<85x5120xf32> to vector<1x5120xf32>
    %slice3A_18 = vector.extract_strided_slice %get3A_3 {offsets = [2, 0], sizes = [1, 5120], strides = [1, 1]} : vector<85x5120xf32> to vector<1x5120xf32>
    %mul3A_19 = arith.constant 5.000000e-01 : f32
    %mul3A_20 = vector.broadcast %mul3A_19 : f32 to vector<1x5120xf32>
    %mul3A_21 = arith.mulf %slice3A_18, %mul3A_20 : vector<1x5120xf32>
    %slice3A_22 = vector.extract_strided_slice %get3A_3 {offsets = [3, 0], sizes = [1, 5120], strides = [1, 1]} : vector<85x5120xf32> to vector<1x5120xf32>
    %mul3A_23 = arith.constant 5.000000e-01 : f32
    %mul3A_24 = vector.broadcast %mul3A_23 : f32 to vector<1x5120xf32>
    %mul3A_25 = arith.mulf %slice3A_22, %mul3A_24 : vector<1x5120xf32>
    %sub3A = arith.subf %slice3A_16, %mul3A_21 : vector<1x5120xf32>
    %sub3A_26 = arith.subf %slice3A_17, %mul3A_25 : vector<1x5120xf32>
    %add3A = arith.addf %slice3A_16, %mul3A_21 : vector<1x5120xf32>
    %add3A_27 = arith.addf %slice3A_17, %mul3A_25 : vector<1x5120xf32>
    %swap3A = arith.constant 0 : index
    %swap3A_28 = arith.constant 0 : index
    %swap3A_29 = arith.constant 0 : index
    %swap3A_30 = vector.load %arg2[%swap3A, %swap3A_28, %swap3A_29] : memref<1x1x5120xf32, #tpu.memory_space<vmem>>, vector<1x1x5120xf32>
    %swap3A_31 = vector.shape_cast %swap3A_30 : vector<1x1x5120xf32> to vector<1x5120xf32>
    %swap3A_32 = vector.shape_cast %broadcast_in_dim3A : vector<1x5120xf32> to vector<1x1x5120xf32>
    tpu.vector_store %arg2[%swap3A, %swap3A_28, %swap3A_29], %swap3A_32 {strides = array<i32>} : memref<1x1x5120xf32, #tpu.memory_space<vmem>>, vector<1x1x5120xf32>,
    %convert_element_type3A_33 = arith.extui %and3A : vector<1x5120xi1> to vector<1x5120xi32>
    %convert_element_type3A_34 = arith.sitofp %convert_element_type3A_33 : vector<1x5120xi32> to vector<1x5120xf32>
    %swap3A_35 = arith.constant 0 : index
    %swap3A_36 = arith.constant 0 : index
    %swap3A_37 = arith.constant 0 : index
    %swap3A_38 = vector.load %arg3[%swap3A_35, %swap3A_36, %swap3A_37] : memref<1x1x5120xf32, #tpu.memory_space<vmem>>, vector<1x1x5120xf32>
    %swap3A_39 = vector.shape_cast %swap3A_38 : vector<1x1x5120xf32> to vector<1x5120xf32>
    %swap3A_40 = vector.shape_cast %convert_element_type3A_34 : vector<1x5120xf32> to vector<1x1x5120xf32>
    tpu.vector_store %arg3[%swap3A_35, %swap3A_36, %swap3A_37], %swap3A_40 {strides = array<i32>} : memref<1x1x5120xf32, #tpu.memory_space<vmem>>, vector<1x1x5120xf32>,
    %concatenate3A = tpu.concatenate %sub3A, %sub3A_26, %add3A, %add3A_27, %broadcast_in_dim3A_10 in 0 : vector<1x5120xf32>, vector<1x5120xf32>, vector<1x5120xf32>, vector<1x5120xf32>, vector<1x5120xf32> -> vector<5x5120xf32>
    %swap3A_41 = arith.constant 0 : index
    %swap3A_42 = arith.constant 0 : index
    %swap3A_43 = arith.constant 0 : index
    %swap3A_44 = vector.load %arg4[%swap3A_41, %swap3A_42, %swap3A_43] : memref<1x5x5120xf32, #tpu.memory_space<vmem>>, vector<1x5x5120xf32>
    %swap3A_45 = vector.shape_cast %swap3A_44 : vector<1x5x5120xf32> to vector<5x5120xf32>
    %swap3A_46 = vector.shape_cast %concatenate3A : vector<5x5120xf32> to vector<1x5x5120xf32>
    tpu.vector_store %arg4[%swap3A_41, %swap3A_42, %swap3A_43], %swap3A_46 {strides = array<i32>} : memref<1x5x5120xf32, #tpu.memory_space<vmem>>, vector<1x5x5120xf32>,
    return
  }
  func.func @transform_0(%arg0: i32) -> (i32, i32, i32) {
    %c0_i32 = arith.constant 0 : i32
    %c0_i32_0 = arith.constant 0 : i32
    %c0_i32_1 = arith.constant 0 : i32
    return %arg0, %c0_i32, %c0_i32_0 : i32, i32, i32
  }
  func.func @transform_1(%arg0: i32) -> (i32, i32, i32) {
    %c0_i32 = arith.constant 0 : i32
    %c0_i32_0 = arith.constant 0 : i32
    %c0_i32_1 = arith.constant 0 : i32
    return %arg0, %c0_i32, %c0_i32_0 : i32, i32, i32
  }
  func.func @transform_2(%arg0: i32) -> (i32, i32, i32) {
    %c0_i32 = arith.constant 0 : i32
    %c0_i32_0 = arith.constant 0 : i32
    %c0_i32_1 = arith.constant 0 : i32
    return %arg0, %c0_i32, %c0_i32_0 : i32, i32, i32
  }
  func.func @transform_3(%arg0: i32) -> (i32, i32, i32) {
    %c0_i32 = arith.constant 0 : i32
    %c0_i32_0 = arith.constant 0 : i32
    %c0_i32_1 = arith.constant 0 : i32
    return %arg0, %c0_i32, %c0_i32_0 : i32, i32, i32
  }
}

module attributes {stable_mosaic.version = 14 : i64} {
  func.func @_main_kernel(%arg0: i32, %arg1: memref<1x5120x5xf32, #tpu.memory_space<vmem>>, %arg2: memref<1x5x5120xf32, #tpu.memory_space<vmem>>, %arg3: memref<1x1x5120xf32, #tpu.memory_space<vmem>>, %arg4: memref<1x5120x5xf32, #tpu.memory_space<vmem>>, %arg5: memref<1x5x5120xf32, #tpu.memory_space<vmem>>, %arg6: memref<1x1x5120xf32, #tpu.memory_space<vmem>>, %arg7: memref<1x1x128xf32, #tpu.memory_space<vmem>>, %arg8: memref<1x1x128xf32, #tpu.memory_space<vmem>>, %arg9: memref<1x5120xf32, #tpu.memory_space<vmem>>, %arg10: memref<1x5120xf32, #tpu.memory_space<vmem>>, %arg11: memref<2xf32, #tpu.memory_space<smem>>) attributes {dimension_semantics = [#tpu.dimension_semantics<arbitrary>], iteration_bounds = array<i64: 4>, scalar_prefetch = 0 : i64, scratch_operands = 3 : i64, tpu.core_type = #tpu.core_type<tc>, window_params = [{transform_indices = @transform_0, window_bounds = array<i64: 1, 5120, 5>}, {transform_indices = @transform_1, window_bounds = array<i64: 1, 5, 5120>}, {transform_indices = @transform_2, window_bounds = array<i64: 1, 1, 5120>}, {transform_indices = @transform_3, window_bounds = array<i64: 1, 5120, 5>}, {transform_indices = @transform_4, window_bounds = array<i64: 1, 5, 5120>}, {transform_indices = @transform_5, window_bounds = array<i64: 1, 1, 5120>}, {transform_indices = @transform_6, window_bounds = array<i64: 1, 1, 128>}, {transform_indices = @transform_7, window_bounds = array<i64: 1, 1, 128>}]} {
    %broadcast_in_dim3A = arith.constant 0.000000e+00 : f32
    %broadcast_in_dim3A_0 = vector.broadcast %broadcast_in_dim3A : f32 to vector<1x5120xf32>
    %swap3A = arith.constant 0 : index
    %swap3A_1 = arith.constant 0 : index
    %swap3A_2 = vector.load %arg9[%swap3A, %swap3A_1] : memref<1x5120xf32, #tpu.memory_space<vmem>>, vector<1x5120xf32>
    tpu.vector_store %arg9[%swap3A, %swap3A_1], %broadcast_in_dim3A_0 {strides = array<i32>} : memref<1x5120xf32, #tpu.memory_space<vmem>>, vector<1x5120xf32>,
    %swap3A_3 = arith.constant 0.000000e+00 : f32
    %swap3A_4 = arith.constant 0 : index
    %swap3A_5 = memref.load %arg11[%swap3A_4] : memref<2xf32, #tpu.memory_space<smem>>
    memref.store %swap3A_3, %arg11[%swap3A_4] : memref<2xf32, #tpu.memory_space<smem>>
    %scan3A = arith.constant 0 : i32
    %scan3A_6 = arith.constant 20 : i32
    %scan3A_7 = arith.addi %scan3A, %scan3A_6 : i32
    %scan3A_8 = arith.constant 1 : i32
    scf.for %scan3A_53 = %scan3A to %scan3A_7 step %scan3A_8  : i32 {
      %mul3A = arith.constant 256 : i32
      %mul3A_54 = arith.muli %scan3A_53, %mul3A : i32
      %get3A_55 = arith.constant 0 : index
      %get3A_56 = memref.load %arg11[%get3A_55] : memref<2xf32, #tpu.memory_space<smem>>
      %lt3A = arith.constant 1.000000e+03 : f32
      %lt3A_57 = arith.cmpf olt, %get3A_56, %lt3A : f32
      %convert_element_type3A = arith.extui %lt3A_57 : i1 to i32
      %cond3A = arith.constant 0 : i32
      %cond3A_58 = arith.cmpi ne, %convert_element_type3A, %cond3A : i32
      scf.if %cond3A_58 {
        %get3A_59 = arith.constant 0 : index
        %get3A_60 = arith.constant 0 : index
        %get3A_61 = arith.index_cast %mul3A_54 : i32 to index
        %get3A_62 = vector.load %arg3[%get3A_59, %get3A_60, %get3A_61] : memref<1x1x5120xf32, #tpu.memory_space<vmem>>, vector<1x1x256xf32>
        %get3A_63 = vector.shape_cast %get3A_62 : vector<1x1x256xf32> to vector<1x256xf32>
        %broadcast_in_dim3A_64 = arith.constant 0.000000e+00 : f32
        %broadcast_in_dim3A_65 = vector.broadcast %broadcast_in_dim3A_64 : f32 to vector<1x256xf32>
        %while3A = arith.constant 0 : i32
        %while3A_66 = arith.subi %scan3A_53, %while3A : i32
        %while3A_67 = arith.addi %while3A, %while3A_66 : i32
        %while3A_68 = arith.constant 1 : i32
        %while3A_69 = arith.divsi %while3A_66, %while3A_68 : i32
        %while3A_70 = arith.muli %while3A_69, %while3A_68 : i32
        %while3A_71 = arith.addi %while3A, %while3A_70 : i32
        %while3A_72 = arith.constant 1 : i32
        %while3A_73 = scf.for %while3A_211 = %while3A to %while3A_71 step %while3A_72 iter_args(%while3A_212 = %broadcast_in_dim3A_65) -> (vector<1x256xf32>)  : i32 {
          %mul3A_213 = arith.constant 256 : i32
          %mul3A_214 = arith.muli %while3A_211, %mul3A_213 : i32
          %get3A_215 = arith.constant 0 : index
          %get3A_216 = arith.index_cast %mul3A_214 : i32 to index
          %get3A_217 = vector.load %arg9[%get3A_215, %get3A_216] : memref<1x5120xf32, #tpu.memory_space<vmem>>, vector<1x256xf32>
          %mul3A_218 = arith.constant 256 : i32
          %mul3A_219 = arith.muli %while3A_211, %mul3A_218 : i32
          %get3A_220 = arith.constant 0 : index
          %get3A_221 = arith.index_cast %mul3A_219 : i32 to index
          %get3A_222 = arith.constant 4 : index
          %get3A_223 = vector.load %arg1[%get3A_220, %get3A_221, %get3A_222] : memref<1x5120x5xf32, #tpu.memory_space<vmem>>, vector<1x256x1xf32>
          %get3A_224 = vector.shape_cast %get3A_223 : vector<1x256x1xf32> to vector<256x1xf32>
          %mul3A_225 = arith.constant 4.096000e+03 : f32
          %mul3A_226 = vector.broadcast %mul3A_225 : f32 to vector<256x1xf32>
          %mul3A_227 = arith.mulf %get3A_224, %mul3A_226 : vector<256x1xf32>
          %get3A_228 = arith.constant 0 : index
          %get3A_229 = arith.constant 4 : index
          %get3A_230 = arith.index_cast %mul3A_54 : i32 to index
          %get3A_231 = vector.load %arg2[%get3A_228, %get3A_229, %get3A_230] : memref<1x5x5120xf32, #tpu.memory_space<vmem>>, vector<1x1x256xf32>
          %get3A_232 = vector.shape_cast %get3A_231 : vector<1x1x256xf32> to vector<1x256xf32>
          %mul3A_233 = arith.constant 4.096000e+03 : f32
          %mul3A_234 = vector.broadcast %mul3A_233 : f32 to vector<1x256xf32>
          %mul3A_235 = arith.mulf %get3A_232, %mul3A_234 : vector<1x256xf32>
          %get3A_236 = arith.constant 0 : index
          %get3A_237 = arith.index_cast %mul3A_219 : i32 to index
          %get3A_238 = arith.constant 0 : index
          %get3A_239 = vector.load %arg1[%get3A_236, %get3A_237, %get3A_238] : memref<1x5120x5xf32, #tpu.memory_space<vmem>>, vector<1x256x1xf32>
          %get3A_240 = vector.shape_cast %get3A_239 : vector<1x256x1xf32> to vector<256x1xf32>
          %add3A_241 = arith.addf %get3A_240, %mul3A_227 : vector<256x1xf32>
          %get3A_242 = arith.constant 0 : index
          %get3A_243 = arith.index_cast %mul3A_219 : i32 to index
          %get3A_244 = arith.constant 1 : index
          %get3A_245 = vector.load %arg1[%get3A_242, %get3A_243, %get3A_244] : memref<1x5120x5xf32, #tpu.memory_space<vmem>>, vector<1x256x1xf32>
          %get3A_246 = vector.shape_cast %get3A_245 : vector<1x256x1xf32> to vector<256x1xf32>
          %add3A_247 = arith.addf %get3A_246, %mul3A_227 : vector<256x1xf32>
          %get3A_248 = arith.constant 0 : index
          %get3A_249 = arith.index_cast %mul3A_219 : i32 to index
          %get3A_250 = arith.constant 2 : index
          %get3A_251 = vector.load %arg1[%get3A_248, %get3A_249, %get3A_250] : memref<1x5120x5xf32, #tpu.memory_space<vmem>>, vector<1x256x1xf32>
          %get3A_252 = vector.shape_cast %get3A_251 : vector<1x256x1xf32> to vector<256x1xf32>
          %add3A_253 = arith.addf %get3A_252, %mul3A_227 : vector<256x1xf32>
          %get3A_254 = arith.constant 0 : index
          %get3A_255 = arith.index_cast %mul3A_219 : i32 to index
          %get3A_256 = arith.constant 3 : index
          %get3A_257 = vector.load %arg1[%get3A_254, %get3A_255, %get3A_256] : memref<1x5120x5xf32, #tpu.memory_space<vmem>>, vector<1x256x1xf32>
          %get3A_258 = vector.shape_cast %get3A_257 : vector<1x256x1xf32> to vector<256x1xf32>
          %add3A_259 = arith.addf %get3A_258, %mul3A_227 : vector<256x1xf32>
          %get3A_260 = arith.constant 0 : index
          %get3A_261 = arith.constant 0 : index
          %get3A_262 = arith.index_cast %mul3A_54 : i32 to index
          %get3A_263 = vector.load %arg2[%get3A_260, %get3A_261, %get3A_262] : memref<1x5x5120xf32, #tpu.memory_space<vmem>>, vector<1x1x256xf32>
          %get3A_264 = vector.shape_cast %get3A_263 : vector<1x1x256xf32> to vector<1x256xf32>
          %add3A_265 = arith.addf %get3A_264, %mul3A_235 : vector<1x256xf32>
          %get3A_266 = arith.constant 0 : index
          %get3A_267 = arith.constant 1 : index
          %get3A_268 = arith.index_cast %mul3A_54 : i32 to index
          %get3A_269 = vector.load %arg2[%get3A_266, %get3A_267, %get3A_268] : memref<1x5x5120xf32, #tpu.memory_space<vmem>>, vector<1x1x256xf32>
          %get3A_270 = vector.shape_cast %get3A_269 : vector<1x1x256xf32> to vector<1x256xf32>
          %add3A_271 = arith.addf %get3A_270, %mul3A_235 : vector<1x256xf32>
          %get3A_272 = arith.constant 0 : index
          %get3A_273 = arith.constant 2 : index
          %get3A_274 = arith.index_cast %mul3A_54 : i32 to index
          %get3A_275 = vector.load %arg2[%get3A_272, %get3A_273, %get3A_274] : memref<1x5x5120xf32, #tpu.memory_space<vmem>>, vector<1x1x256xf32>
          %get3A_276 = vector.shape_cast %get3A_275 : vector<1x1x256xf32> to vector<1x256xf32>
          %add3A_277 = arith.addf %get3A_276, %mul3A_235 : vector<1x256xf32>
          %get3A_278 = arith.constant 0 : index
          %get3A_279 = arith.constant 3 : index
          %get3A_280 = arith.index_cast %mul3A_54 : i32 to index
          %get3A_281 = vector.load %arg2[%get3A_278, %get3A_279, %get3A_280] : memref<1x5x5120xf32, #tpu.memory_space<vmem>>, vector<1x1x256xf32>
          %get3A_282 = vector.shape_cast %get3A_281 : vector<1x1x256xf32> to vector<1x256xf32>
          %add3A_283 = arith.addf %get3A_282, %mul3A_235 : vector<1x256xf32>
          %min3A_284 = vector.broadcast %add3A_253 : vector<256x1xf32> to vector<256x256xf32>
          %min3A_285 = vector.broadcast %add3A_277 : vector<1x256xf32> to vector<256x256xf32>
          %min3A_286 = arith.minimumf %min3A_284, %min3A_285 : vector<256x256xf32>
          %max3A_287 = vector.broadcast %add3A_241 : vector<256x1xf32> to vector<256x256xf32>
          %max3A_288 = vector.broadcast %add3A_265 : vector<1x256xf32> to vector<256x256xf32>
          %max3A_289 = arith.maximumf %max3A_287, %max3A_288 : vector<256x256xf32>
          %sub3A_290 = arith.subf %min3A_286, %max3A_289 : vector<256x256xf32>
          %max3A_291 = arith.constant 0.000000e+00 : f32
          %max3A_292 = vector.broadcast %max3A_291 : f32 to vector<256x256xf32>
          %max3A_293 = arith.maximumf %sub3A_290, %max3A_292 : vector<256x256xf32>
          %min3A_294 = vector.broadcast %add3A_259 : vector<256x1xf32> to vector<256x256xf32>
          %min3A_295 = vector.broadcast %add3A_283 : vector<1x256xf32> to vector<256x256xf32>
          %min3A_296 = arith.minimumf %min3A_294, %min3A_295 : vector<256x256xf32>
          %max3A_297 = vector.broadcast %add3A_247 : vector<256x1xf32> to vector<256x256xf32>
          %max3A_298 = vector.broadcast %add3A_271 : vector<1x256xf32> to vector<256x256xf32>
          %max3A_299 = arith.maximumf %max3A_297, %max3A_298 : vector<256x256xf32>
          %sub3A_300 = arith.subf %min3A_296, %max3A_299 : vector<256x256xf32>
          %max3A_301 = arith.constant 0.000000e+00 : f32
          %max3A_302 = vector.broadcast %max3A_301 : f32 to vector<256x256xf32>
          %max3A_303 = arith.maximumf %sub3A_300, %max3A_302 : vector<256x256xf32>
          %mul3A_304 = arith.mulf %max3A_293, %max3A_303 : vector<256x256xf32>
          %sub3A_305 = arith.subf %add3A_253, %add3A_241 : vector<256x1xf32>
          %sub3A_306 = arith.subf %add3A_259, %add3A_247 : vector<256x1xf32>
          %mul3A_307 = arith.mulf %sub3A_305, %sub3A_306 : vector<256x1xf32>
          %sub3A_308 = arith.subf %add3A_277, %add3A_265 : vector<1x256xf32>
          %sub3A_309 = arith.subf %add3A_283, %add3A_271 : vector<1x256xf32>
          %mul3A_310 = arith.mulf %sub3A_308, %sub3A_309 : vector<1x256xf32>
          %add3A_311 = vector.broadcast %mul3A_307 : vector<256x1xf32> to vector<256x256xf32>
          %add3A_312 = vector.broadcast %mul3A_310 : vector<1x256xf32> to vector<256x256xf32>
          %add3A_313 = arith.addf %add3A_311, %add3A_312 : vector<256x256xf32>
          %sub3A_314 = arith.subf %add3A_313, %mul3A_304 : vector<256x256xf32>
          %mul3A_315 = arith.constant 4.500000e-01 : f32
          %mul3A_316 = vector.broadcast %mul3A_315 : f32 to vector<256x256xf32>
          %mul3A_317 = arith.mulf %mul3A_316, %sub3A_314 : vector<256x256xf32>
          %gt3A_318 = arith.cmpf ogt, %mul3A_304, %mul3A_317 : vector<256x256xf32>
          %eq3A_319 = arith.constant 0.000000e+00 : f32
          %eq3A_320 = vector.broadcast %eq3A_319 : f32 to vector<256x256xf32>
          %eq3A_321 = arith.cmpf oeq, %sub3A_314, %eq3A_320 : vector<256x256xf32>
          %or3A_322 = arith.ori %gt3A_318, %eq3A_321 : vector<256x256xi1>
          %convert_element_type3A_323 = arith.extui %or3A_322 : vector<256x256xi1> to vector<256x256xi32>
          %convert_element_type3A_324 = arith.sitofp %convert_element_type3A_323 : vector<256x256xi32> to vector<256x256xf32>
          %dot_general3A_325 = arith.constant dense<0.000000e+00> : vector<1x256xf32>
          %dot_general3A_326 = tpu.matmul %get3A_217, %convert_element_type3A_324, %dot_general3A_325 {dimension_numbers = #tpu.dot_dimension_numbers<[1], [0], [0], [1], [0, 0, 1, 1], [], []>, transpose_lhs_hint = false} : vector<1x256xf32>, vector<256x256xf32>, vector<1x256xf32> -> vector<1x256xf32>
          %add3A_327 = arith.addf %while3A_212, %dot_general3A_326 : vector<1x256xf32>
          scf.yield %add3A_327 : vector<1x256xf32>
        }
        %while3A_74 = arith.constant 1 : i32
        %while3A_75 = scf.for %while3A_211 = %while3A_71 to %while3A_67 step %while3A_74 iter_args(%while3A_212 = %while3A_73) -> (vector<1x256xf32>)  : i32 {
          %mul3A_213 = arith.constant 256 : i32
          %mul3A_214 = arith.muli %while3A_211, %mul3A_213 : i32
          %get3A_215 = arith.constant 0 : index
          %get3A_216 = arith.index_cast %mul3A_214 : i32 to index
          %get3A_217 = vector.load %arg9[%get3A_215, %get3A_216] : memref<1x5120xf32, #tpu.memory_space<vmem>>, vector<1x256xf32>
          %mul3A_218 = arith.constant 256 : i32
          %mul3A_219 = arith.muli %while3A_211, %mul3A_218 : i32
          %get3A_220 = arith.constant 0 : index
          %get3A_221 = arith.index_cast %mul3A_219 : i32 to index
          %get3A_222 = arith.constant 4 : index
          %get3A_223 = vector.load %arg1[%get3A_220, %get3A_221, %get3A_222] : memref<1x5120x5xf32, #tpu.memory_space<vmem>>, vector<1x256x1xf32>
          %get3A_224 = vector.shape_cast %get3A_223 : vector<1x256x1xf32> to vector<256x1xf32>
          %mul3A_225 = arith.constant 4.096000e+03 : f32
          %mul3A_226 = vector.broadcast %mul3A_225 : f32 to vector<256x1xf32>
          %mul3A_227 = arith.mulf %get3A_224, %mul3A_226 : vector<256x1xf32>
          %get3A_228 = arith.constant 0 : index
          %get3A_229 = arith.constant 4 : index
          %get3A_230 = arith.index_cast %mul3A_54 : i32 to index
          %get3A_231 = vector.load %arg2[%get3A_228, %get3A_229, %get3A_230] : memref<1x5x5120xf32, #tpu.memory_space<vmem>>, vector<1x1x256xf32>
          %get3A_232 = vector.shape_cast %get3A_231 : vector<1x1x256xf32> to vector<1x256xf32>
          %mul3A_233 = arith.constant 4.096000e+03 : f32
          %mul3A_234 = vector.broadcast %mul3A_233 : f32 to vector<1x256xf32>
          %mul3A_235 = arith.mulf %get3A_232, %mul3A_234 : vector<1x256xf32>
          %get3A_236 = arith.constant 0 : index
          %get3A_237 = arith.index_cast %mul3A_219 : i32 to index
          %get3A_238 = arith.constant 0 : index
          %get3A_239 = vector.load %arg1[%get3A_236, %get3A_237, %get3A_238] : memref<1x5120x5xf32, #tpu.memory_space<vmem>>, vector<1x256x1xf32>
          %get3A_240 = vector.shape_cast %get3A_239 : vector<1x256x1xf32> to vector<256x1xf32>
          %add3A_241 = arith.addf %get3A_240, %mul3A_227 : vector<256x1xf32>
          %get3A_242 = arith.constant 0 : index
          %get3A_243 = arith.index_cast %mul3A_219 : i32 to index
          %get3A_244 = arith.constant 1 : index
          %get3A_245 = vector.load %arg1[%get3A_242, %get3A_243, %get3A_244] : memref<1x5120x5xf32, #tpu.memory_space<vmem>>, vector<1x256x1xf32>
          %get3A_246 = vector.shape_cast %get3A_245 : vector<1x256x1xf32> to vector<256x1xf32>
          %add3A_247 = arith.addf %get3A_246, %mul3A_227 : vector<256x1xf32>
          %get3A_248 = arith.constant 0 : index
          %get3A_249 = arith.index_cast %mul3A_219 : i32 to index
          %get3A_250 = arith.constant 2 : index
          %get3A_251 = vector.load %arg1[%get3A_248, %get3A_249, %get3A_250] : memref<1x5120x5xf32, #tpu.memory_space<vmem>>, vector<1x256x1xf32>
          %get3A_252 = vector.shape_cast %get3A_251 : vector<1x256x1xf32> to vector<256x1xf32>
          %add3A_253 = arith.addf %get3A_252, %mul3A_227 : vector<256x1xf32>
          %get3A_254 = arith.constant 0 : index
          %get3A_255 = arith.index_cast %mul3A_219 : i32 to index
          %get3A_256 = arith.constant 3 : index
          %get3A_257 = vector.load %arg1[%get3A_254, %get3A_255, %get3A_256] : memref<1x5120x5xf32, #tpu.memory_space<vmem>>, vector<1x256x1xf32>
          %get3A_258 = vector.shape_cast %get3A_257 : vector<1x256x1xf32> to vector<256x1xf32>
          %add3A_259 = arith.addf %get3A_258, %mul3A_227 : vector<256x1xf32>
          %get3A_260 = arith.constant 0 : index
          %get3A_261 = arith.constant 0 : index
          %get3A_262 = arith.index_cast %mul3A_54 : i32 to index
          %get3A_263 = vector.load %arg2[%get3A_260, %get3A_261, %get3A_262] : memref<1x5x5120xf32, #tpu.memory_space<vmem>>, vector<1x1x256xf32>
          %get3A_264 = vector.shape_cast %get3A_263 : vector<1x1x256xf32> to vector<1x256xf32>
          %add3A_265 = arith.addf %get3A_264, %mul3A_235 : vector<1x256xf32>
          %get3A_266 = arith.constant 0 : index
          %get3A_267 = arith.constant 1 : index
          %get3A_268 = arith.index_cast %mul3A_54 : i32 to index
          %get3A_269 = vector.load %arg2[%get3A_266, %get3A_267, %get3A_268] : memref<1x5x5120xf32, #tpu.memory_space<vmem>>, vector<1x1x256xf32>
          %get3A_270 = vector.shape_cast %get3A_269 : vector<1x1x256xf32> to vector<1x256xf32>
          %add3A_271 = arith.addf %get3A_270, %mul3A_235 : vector<1x256xf32>
          %get3A_272 = arith.constant 0 : index
          %get3A_273 = arith.constant 2 : index
          %get3A_274 = arith.index_cast %mul3A_54 : i32 to index
          %get3A_275 = vector.load %arg2[%get3A_272, %get3A_273, %get3A_274] : memref<1x5x5120xf32, #tpu.memory_space<vmem>>, vector<1x1x256xf32>
          %get3A_276 = vector.shape_cast %get3A_275 : vector<1x1x256xf32> to vector<1x256xf32>
          %add3A_277 = arith.addf %get3A_276, %mul3A_235 : vector<1x256xf32>
          %get3A_278 = arith.constant 0 : index
          %get3A_279 = arith.constant 3 : index
          %get3A_280 = arith.index_cast %mul3A_54 : i32 to index
          %get3A_281 = vector.load %arg2[%get3A_278, %get3A_279, %get3A_280] : memref<1x5x5120xf32, #tpu.memory_space<vmem>>, vector<1x1x256xf32>
          %get3A_282 = vector.shape_cast %get3A_281 : vector<1x1x256xf32> to vector<1x256xf32>
          %add3A_283 = arith.addf %get3A_282, %mul3A_235 : vector<1x256xf32>
          %min3A_284 = vector.broadcast %add3A_253 : vector<256x1xf32> to vector<256x256xf32>
          %min3A_285 = vector.broadcast %add3A_277 : vector<1x256xf32> to vector<256x256xf32>
          %min3A_286 = arith.minimumf %min3A_284, %min3A_285 : vector<256x256xf32>
          %max3A_287 = vector.broadcast %add3A_241 : vector<256x1xf32> to vector<256x256xf32>
          %max3A_288 = vector.broadcast %add3A_265 : vector<1x256xf32> to vector<256x256xf32>
          %max3A_289 = arith.maximumf %max3A_287, %max3A_288 : vector<256x256xf32>
          %sub3A_290 = arith.subf %min3A_286, %max3A_289 : vector<256x256xf32>
          %max3A_291 = arith.constant 0.000000e+00 : f32
          %max3A_292 = vector.broadcast %max3A_291 : f32 to vector<256x256xf32>
          %max3A_293 = arith.maximumf %sub3A_290, %max3A_292 : vector<256x256xf32>
          %min3A_294 = vector.broadcast %add3A_259 : vector<256x1xf32> to vector<256x256xf32>
          %min3A_295 = vector.broadcast %add3A_283 : vector<1x256xf32> to vector<256x256xf32>
          %min3A_296 = arith.minimumf %min3A_294, %min3A_295 : vector<256x256xf32>
          %max3A_297 = vector.broadcast %add3A_247 : vector<256x1xf32> to vector<256x256xf32>
          %max3A_298 = vector.broadcast %add3A_271 : vector<1x256xf32> to vector<256x256xf32>
          %max3A_299 = arith.maximumf %max3A_297, %max3A_298 : vector<256x256xf32>
          %sub3A_300 = arith.subf %min3A_296, %max3A_299 : vector<256x256xf32>
          %max3A_301 = arith.constant 0.000000e+00 : f32
          %max3A_302 = vector.broadcast %max3A_301 : f32 to vector<256x256xf32>
          %max3A_303 = arith.maximumf %sub3A_300, %max3A_302 : vector<256x256xf32>
          %mul3A_304 = arith.mulf %max3A_293, %max3A_303 : vector<256x256xf32>
          %sub3A_305 = arith.subf %add3A_253, %add3A_241 : vector<256x1xf32>
          %sub3A_306 = arith.subf %add3A_259, %add3A_247 : vector<256x1xf32>
          %mul3A_307 = arith.mulf %sub3A_305, %sub3A_306 : vector<256x1xf32>
          %sub3A_308 = arith.subf %add3A_277, %add3A_265 : vector<1x256xf32>
          %sub3A_309 = arith.subf %add3A_283, %add3A_271 : vector<1x256xf32>
          %mul3A_310 = arith.mulf %sub3A_308, %sub3A_309 : vector<1x256xf32>
          %add3A_311 = vector.broadcast %mul3A_307 : vector<256x1xf32> to vector<256x256xf32>
          %add3A_312 = vector.broadcast %mul3A_310 : vector<1x256xf32> to vector<256x256xf32>
          %add3A_313 = arith.addf %add3A_311, %add3A_312 : vector<256x256xf32>
          %sub3A_314 = arith.subf %add3A_313, %mul3A_304 : vector<256x256xf32>
          %mul3A_315 = arith.constant 4.500000e-01 : f32
          %mul3A_316 = vector.broadcast %mul3A_315 : f32 to vector<256x256xf32>
          %mul3A_317 = arith.mulf %mul3A_316, %sub3A_314 : vector<256x256xf32>
          %gt3A_318 = arith.cmpf ogt, %mul3A_304, %mul3A_317 : vector<256x256xf32>
          %eq3A_319 = arith.constant 0.000000e+00 : f32
          %eq3A_320 = vector.broadcast %eq3A_319 : f32 to vector<256x256xf32>
          %eq3A_321 = arith.cmpf oeq, %sub3A_314, %eq3A_320 : vector<256x256xf32>
          %or3A_322 = arith.ori %gt3A_318, %eq3A_321 : vector<256x256xi1>
          %convert_element_type3A_323 = arith.extui %or3A_322 : vector<256x256xi1> to vector<256x256xi32>
          %convert_element_type3A_324 = arith.sitofp %convert_element_type3A_323 : vector<256x256xi32> to vector<256x256xf32>
          %dot_general3A_325 = arith.constant dense<0.000000e+00> : vector<1x256xf32>
          %dot_general3A_326 = tpu.matmul %get3A_217, %convert_element_type3A_324, %dot_general3A_325 {dimension_numbers = #tpu.dot_dimension_numbers<[1], [0], [0], [1], [0, 0, 1, 1], [], []>, transpose_lhs_hint = false} : vector<1x256xf32>, vector<256x256xf32>, vector<1x256xf32> -> vector<1x256xf32>
          %add3A_327 = arith.addf %while3A_212, %dot_general3A_326 : vector<1x256xf32>
          scf.yield %add3A_327 : vector<1x256xf32>
        }
        %eq3A = arith.constant 0.000000e+00 : f32
        %eq3A_76 = vector.broadcast %eq3A : f32 to vector<1x256xf32>
        %eq3A_77 = arith.cmpf oeq, %while3A_75, %eq3A_76 : vector<1x256xf32>
        %jit3A = arith.constant 0.000000e+00 : f32
        %broadcast_in_dim3A_78 = vector.broadcast %jit3A : f32 to vector<1x256xf32>
        %select_n3A = arith.select %eq3A_77, %get3A_63, %broadcast_in_dim3A_78 : vector<1x256xi1>, vector<1x256xf32>
        %iota3A = tpu.iota {dimensions = array<i32: 0>} : vector<256x256xi32>
        %iota3A_79 = tpu.iota {dimensions = array<i32: 1>} : vector<256x256xi32>
        %lt3A_80 = arith.cmpi slt, %iota3A, %iota3A_79 : vector<256x256xi32>
        %get3A_81 = arith.constant 0 : index
        %get3A_82 = arith.index_cast %mul3A_54 : i32 to index
        %get3A_83 = arith.constant 4 : index
        %get3A_84 = vector.load %arg1[%get3A_81, %get3A_82, %get3A_83] : memref<1x5120x5xf32, #tpu.memory_space<vmem>>, vector<1x256x1xf32>
        %get3A_85 = vector.shape_cast %get3A_84 : vector<1x256x1xf32> to vector<256x1xf32>
        %mul3A_86 = arith.constant 4.096000e+03 : f32
        %mul3A_87 = vector.broadcast %mul3A_86 : f32 to vector<256x1xf32>
        %mul3A_88 = arith.mulf %get3A_85, %mul3A_87 : vector<256x1xf32>
        %get3A_89 = arith.constant 0 : index
        %get3A_90 = arith.constant 4 : index
        %get3A_91 = arith.index_cast %mul3A_54 : i32 to index
        %get3A_92 = vector.load %arg2[%get3A_89, %get3A_90, %get3A_91] : memref<1x5x5120xf32, #tpu.memory_space<vmem>>, vector<1x1x256xf32>
        %get3A_93 = vector.shape_cast %get3A_92 : vector<1x1x256xf32> to vector<1x256xf32>
        %mul3A_94 = arith.constant 4.096000e+03 : f32
        %mul3A_95 = vector.broadcast %mul3A_94 : f32 to vector<1x256xf32>
        %mul3A_96 = arith.mulf %get3A_93, %mul3A_95 : vector<1x256xf32>
        %get3A_97 = arith.constant 0 : index
        %get3A_98 = arith.index_cast %mul3A_54 : i32 to index
        %get3A_99 = arith.constant 0 : index
        %get3A_100 = vector.load %arg1[%get3A_97, %get3A_98, %get3A_99] : memref<1x5120x5xf32, #tpu.memory_space<vmem>>, vector<1x256x1xf32>
        %get3A_101 = vector.shape_cast %get3A_100 : vector<1x256x1xf32> to vector<256x1xf32>
        %add3A = arith.addf %get3A_101, %mul3A_88 : vector<256x1xf32>
        %get3A_102 = arith.constant 0 : index
        %get3A_103 = arith.index_cast %mul3A_54 : i32 to index
        %get3A_104 = arith.constant 1 : index
        %get3A_105 = vector.load %arg1[%get3A_102, %get3A_103, %get3A_104] : memref<1x5120x5xf32, #tpu.memory_space<vmem>>, vector<1x256x1xf32>
        %get3A_106 = vector.shape_cast %get3A_105 : vector<1x256x1xf32> to vector<256x1xf32>
        %add3A_107 = arith.addf %get3A_106, %mul3A_88 : vector<256x1xf32>
        %get3A_108 = arith.constant 0 : index
        %get3A_109 = arith.index_cast %mul3A_54 : i32 to index
        %get3A_110 = arith.constant 2 : index
        %get3A_111 = vector.load %arg1[%get3A_108, %get3A_109, %get3A_110] : memref<1x5120x5xf32, #tpu.memory_space<vmem>>, vector<1x256x1xf32>
        %get3A_112 = vector.shape_cast %get3A_111 : vector<1x256x1xf32> to vector<256x1xf32>
        %add3A_113 = arith.addf %get3A_112, %mul3A_88 : vector<256x1xf32>
        %get3A_114 = arith.constant 0 : index
        %get3A_115 = arith.index_cast %mul3A_54 : i32 to index
        %get3A_116 = arith.constant 3 : index
        %get3A_117 = vector.load %arg1[%get3A_114, %get3A_115, %get3A_116] : memref<1x5120x5xf32, #tpu.memory_space<vmem>>, vector<1x256x1xf32>
        %get3A_118 = vector.shape_cast %get3A_117 : vector<1x256x1xf32> to vector<256x1xf32>
        %add3A_119 = arith.addf %get3A_118, %mul3A_88 : vector<256x1xf32>
        %get3A_120 = arith.constant 0 : index
        %get3A_121 = arith.constant 0 : index
        %get3A_122 = arith.index_cast %mul3A_54 : i32 to index
        %get3A_123 = vector.load %arg2[%get3A_120, %get3A_121, %get3A_122] : memref<1x5x5120xf32, #tpu.memory_space<vmem>>, vector<1x1x256xf32>
        %get3A_124 = vector.shape_cast %get3A_123 : vector<1x1x256xf32> to vector<1x256xf32>
        %add3A_125 = arith.addf %get3A_124, %mul3A_96 : vector<1x256xf32>
        %get3A_126 = arith.constant 0 : index
        %get3A_127 = arith.constant 1 : index
        %get3A_128 = arith.index_cast %mul3A_54 : i32 to index
        %get3A_129 = vector.load %arg2[%get3A_126, %get3A_127, %get3A_128] : memref<1x5x5120xf32, #tpu.memory_space<vmem>>, vector<1x1x256xf32>
        %get3A_130 = vector.shape_cast %get3A_129 : vector<1x1x256xf32> to vector<1x256xf32>
        %add3A_131 = arith.addf %get3A_130, %mul3A_96 : vector<1x256xf32>
        %get3A_132 = arith.constant 0 : index
        %get3A_133 = arith.constant 2 : index
        %get3A_134 = arith.index_cast %mul3A_54 : i32 to index
        %get3A_135 = vector.load %arg2[%get3A_132, %get3A_133, %get3A_134] : memref<1x5x5120xf32, #tpu.memory_space<vmem>>, vector<1x1x256xf32>
        %get3A_136 = vector.shape_cast %get3A_135 : vector<1x1x256xf32> to vector<1x256xf32>
        %add3A_137 = arith.addf %get3A_136, %mul3A_96 : vector<1x256xf32>
        %get3A_138 = arith.constant 0 : index
        %get3A_139 = arith.constant 3 : index
        %get3A_140 = arith.index_cast %mul3A_54 : i32 to index
        %get3A_141 = vector.load %arg2[%get3A_138, %get3A_139, %get3A_140] : memref<1x5x5120xf32, #tpu.memory_space<vmem>>, vector<1x1x256xf32>
        %get3A_142 = vector.shape_cast %get3A_141 : vector<1x1x256xf32> to vector<1x256xf32>
        %add3A_143 = arith.addf %get3A_142, %mul3A_96 : vector<1x256xf32>
        %min3A = vector.broadcast %add3A_113 : vector<256x1xf32> to vector<256x256xf32>
        %min3A_144 = vector.broadcast %add3A_137 : vector<1x256xf32> to vector<256x256xf32>
        %min3A_145 = arith.minimumf %min3A, %min3A_144 : vector<256x256xf32>
        %max3A = vector.broadcast %add3A : vector<256x1xf32> to vector<256x256xf32>
        %max3A_146 = vector.broadcast %add3A_125 : vector<1x256xf32> to vector<256x256xf32>
        %max3A_147 = arith.maximumf %max3A, %max3A_146 : vector<256x256xf32>
        %sub3A = arith.subf %min3A_145, %max3A_147 : vector<256x256xf32>
        %max3A_148 = arith.constant 0.000000e+00 : f32
        %max3A_149 = vector.broadcast %max3A_148 : f32 to vector<256x256xf32>
        %max3A_150 = arith.maximumf %sub3A, %max3A_149 : vector<256x256xf32>
        %min3A_151 = vector.broadcast %add3A_119 : vector<256x1xf32> to vector<256x256xf32>
        %min3A_152 = vector.broadcast %add3A_143 : vector<1x256xf32> to vector<256x256xf32>
        %min3A_153 = arith.minimumf %min3A_151, %min3A_152 : vector<256x256xf32>
        %max3A_154 = vector.broadcast %add3A_107 : vector<256x1xf32> to vector<256x256xf32>
        %max3A_155 = vector.broadcast %add3A_131 : vector<1x256xf32> to vector<256x256xf32>
        %max3A_156 = arith.maximumf %max3A_154, %max3A_155 : vector<256x256xf32>
        %sub3A_157 = arith.subf %min3A_153, %max3A_156 : vector<256x256xf32>
        %max3A_158 = arith.constant 0.000000e+00 : f32
        %max3A_159 = vector.broadcast %max3A_158 : f32 to vector<256x256xf32>
        %max3A_160 = arith.maximumf %sub3A_157, %max3A_159 : vector<256x256xf32>
        %mul3A_161 = arith.mulf %max3A_150, %max3A_160 : vector<256x256xf32>
        %sub3A_162 = arith.subf %add3A_113, %add3A : vector<256x1xf32>
        %sub3A_163 = arith.subf %add3A_119, %add3A_107 : vector<256x1xf32>
        %mul3A_164 = arith.mulf %sub3A_162, %sub3A_163 : vector<256x1xf32>
        %sub3A_165 = arith.subf %add3A_137, %add3A_125 : vector<1x256xf32>
        %sub3A_166 = arith.subf %add3A_143, %add3A_131 : vector<1x256xf32>
        %mul3A_167 = arith.mulf %sub3A_165, %sub3A_166 : vector<1x256xf32>
        %add3A_168 = vector.broadcast %mul3A_164 : vector<256x1xf32> to vector<256x256xf32>
        %add3A_169 = vector.broadcast %mul3A_167 : vector<1x256xf32> to vector<256x256xf32>
        %add3A_170 = arith.addf %add3A_168, %add3A_169 : vector<256x256xf32>
        %sub3A_171 = arith.subf %add3A_170, %mul3A_161 : vector<256x256xf32>
        %mul3A_172 = arith.constant 4.500000e-01 : f32
        %mul3A_173 = vector.broadcast %mul3A_172 : f32 to vector<256x256xf32>
        %mul3A_174 = arith.mulf %mul3A_173, %sub3A_171 : vector<256x256xf32>
        %gt3A = arith.cmpf ogt, %mul3A_161, %mul3A_174 : vector<256x256xf32>
        %eq3A_175 = arith.constant 0.000000e+00 : f32
        %eq3A_176 = vector.broadcast %eq3A_175 : f32 to vector<256x256xf32>
        %eq3A_177 = arith.cmpf oeq, %sub3A_171, %eq3A_176 : vector<256x256xf32>
        %or3A = arith.ori %gt3A, %eq3A_177 : vector<256x256xi1>
        %convert_element_type3A_178 = arith.extui %or3A : vector<256x256xi1> to vector<256x256xi32>
        %convert_element_type3A_179 = arith.sitofp %convert_element_type3A_178 : vector<256x256xi32> to vector<256x256xf32>
        %jit3A_180 = arith.constant 0.000000e+00 : f32
        %broadcast_in_dim3A_181 = vector.broadcast %jit3A_180 : f32 to vector<256x256xf32>
        %select_n3A_182 = arith.select %lt3A_80, %convert_element_type3A_179, %broadcast_in_dim3A_181 : vector<256x256xi1>, vector<256x256xf32>
        %while3A_183 = arith.constant true
        %while3A_184:2 = scf.while (%while3A_211 = %select_n3A, %while3A_212 = %while3A_183) : (vector<1x256xf32>, i1) -> (vector<1x256xf32>, i1) {
          scf.condition(%while3A_212) %while3A_211, %while3A_212 : vector<1x256xf32>, i1
        } do {
        ^bb0(%while3A_211: vector<1x256xf32>, %while3A_212: i1):
          %dot_general3A_213 = arith.constant dense<0.000000e+00> : vector<1x256xf32>
          %dot_general3A_214 = tpu.matmul %while3A_211, %select_n3A_182, %dot_general3A_213 {dimension_numbers = #tpu.dot_dimension_numbers<[1], [0], [0], [1], [0, 0, 1, 1], [], []>, transpose_lhs_hint = false} : vector<1x256xf32>, vector<256x256xf32>, vector<1x256xf32> -> vector<1x256xf32>
          %eq3A_215 = arith.constant 0.000000e+00 : f32
          %eq3A_216 = vector.broadcast %eq3A_215 : f32 to vector<1x256xf32>
          %eq3A_217 = arith.cmpf oeq, %dot_general3A_214, %eq3A_216 : vector<1x256xf32>
          %jit3A_218 = arith.constant 0.000000e+00 : f32
          %broadcast_in_dim3A_219 = vector.broadcast %jit3A_218 : f32 to vector<1x256xf32>
          %select_n3A_220 = arith.select %eq3A_217, %select_n3A, %broadcast_in_dim3A_219 : vector<1x256xi1>, vector<1x256xf32>
          %ne3A = arith.cmpf one, %select_n3A_220, %while3A_211 : vector<1x256xf32>
          %reduce_or3A = arith.constant 1.000000e+00 : f32
          %reduce_or3A_221 = arith.constant 0.000000e+00 : f32
          %reduce_or3A_222 = vector.broadcast %reduce_or3A : f32 to vector<1x256xf32>
          %reduce_or3A_223 = vector.broadcast %reduce_or3A_221 : f32 to vector<1x256xf32>
          %reduce_or3A_224 = arith.select %ne3A, %reduce_or3A_222, %reduce_or3A_223 : vector<1x256xi1>, vector<1x256xf32>
          %reduce_or3A_225 = vector.shape_cast %reduce_or3A_224 : vector<1x256xf32> to vector<1x1x256xf32>
          %reduce_or3A_226 = arith.constant dense<0xFF800000> : vector<1xf32>
          %reduce_or3A_227 = vector.multi_reduction <maximumf>, %reduce_or3A_225, %reduce_or3A_226 [1, 2] : vector<1x1x256xf32> to vector<1xf32>
          %reduce_or3A_228 = vector.shape_cast %reduce_or3A_227 : vector<1xf32> to vector<1x1x1xf32>
          %reduce_or3A_229 = vector.extract %reduce_or3A_228[0, 0, 0] : f32 from vector<1x1x1xf32>
          %reduce_or3A_230 = arith.constant 0.000000e+00 : f32
          %reduce_or3A_231 = arith.cmpf ogt, %reduce_or3A_229, %reduce_or3A_230 : f32
          scf.yield %select_n3A_220, %reduce_or3A_231 : vector<1x256xf32>, i1
        }
        %le3A = arith.cmpi sle, %iota3A, %iota3A_79 : vector<256x256xi32>
        %convert_element_type3A_185 = arith.extui %le3A : vector<256x256xi1> to vector<256x256xi32>
        %convert_element_type3A_186 = arith.sitofp %convert_element_type3A_185 : vector<256x256xi32> to vector<256x256xf32>
        %dot_general3A = arith.constant dense<0.000000e+00> : vector<1x256xf32>
        %dot_general3A_187 = tpu.matmul %while3A_184#0, %convert_element_type3A_186, %dot_general3A {dimension_numbers = #tpu.dot_dimension_numbers<[1], [0], [0], [1], [0, 0, 1, 1], [], []>, transpose_lhs_hint = false} : vector<1x256xf32>, vector<256x256xf32>, vector<1x256xf32> -> vector<1x256xf32>
        %get3A_188 = arith.constant 0 : index
        %get3A_189 = memref.load %arg11[%get3A_188] : memref<2xf32, #tpu.memory_space<smem>>
        %add3A_190 = vector.broadcast %get3A_189 : f32 to vector<1x256xf32>
        %add3A_191 = arith.addf %add3A_190, %dot_general3A_187 : vector<1x256xf32>
        %le3A_192 = arith.constant 1.000000e+03 : f32
        %le3A_193 = vector.broadcast %le3A_192 : f32 to vector<1x256xf32>
        %le3A_194 = arith.cmpf ole, %add3A_191, %le3A_193 : vector<1x256xf32>
        %jit3A_195 = arith.constant 0.000000e+00 : f32
        %broadcast_in_dim3A_196 = vector.broadcast %jit3A_195 : f32 to vector<1x256xf32>
        %select_n3A_197 = arith.select %le3A_194, %while3A_184#0, %broadcast_in_dim3A_196 : vector<1x256xi1>, vector<1x256xf32>
        %swap3A_198 = arith.constant 0 : index
        %swap3A_199 = arith.index_cast %mul3A_54 : i32 to index
        %swap3A_200 = vector.load %arg9[%swap3A_198, %swap3A_199] : memref<1x5120xf32, #tpu.memory_space<vmem>>, vector<1x256xf32>
        tpu.vector_store %arg9[%swap3A_198, %swap3A_199], %select_n3A_197 {strides = array<i32>} : memref<1x5120xf32, #tpu.memory_space<vmem>>, vector<1x256xf32>,
        %get3A_201 = arith.constant 0 : index
        %get3A_202 = memref.load %arg11[%get3A_201] : memref<2xf32, #tpu.memory_space<smem>>
        %reduce_sum3A_203 = vector.shape_cast %select_n3A_197 : vector<1x256xf32> to vector<1x1x256xf32>
        %reduce_sum3A_204 = arith.constant dense<0.000000e+00> : vector<1xf32>
        %reduce_sum3A_205 = vector.multi_reduction <add>, %reduce_sum3A_203, %reduce_sum3A_204 [1, 2] : vector<1x1x256xf32> to vector<1xf32>
        %reduce_sum3A_206 = vector.shape_cast %reduce_sum3A_205 : vector<1xf32> to vector<1x1x1xf32>
        %reduce_sum3A_207 = vector.extract %reduce_sum3A_206[0, 0, 0] : f32 from vector<1x1x1xf32>
        %add3A_208 = arith.addf %get3A_202, %reduce_sum3A_207 : f32
        %swap3A_209 = arith.constant 0 : index
        %swap3A_210 = memref.load %arg11[%swap3A_209] : memref<2xf32, #tpu.memory_space<smem>>
        memref.store %add3A_208, %arg11[%swap3A_209] : memref<2xf32, #tpu.memory_space<smem>>
      } else {
      }
    }
    %scan3A_9 = arith.constant 20 : i32
    %broadcast_in_dim3A_10 = arith.constant 0.000000e+00 : f32
    %broadcast_in_dim3A_11 = vector.broadcast %broadcast_in_dim3A_10 : f32 to vector<1x5120xf32>
    %swap3A_12 = arith.constant 0 : index
    %swap3A_13 = arith.constant 0 : index
    %swap3A_14 = vector.load %arg10[%swap3A_12, %swap3A_13] : memref<1x5120xf32, #tpu.memory_space<vmem>>, vector<1x5120xf32>
    tpu.vector_store %arg10[%swap3A_12, %swap3A_13], %broadcast_in_dim3A_11 {strides = array<i32>} : memref<1x5120xf32, #tpu.memory_space<vmem>>, vector<1x5120xf32>,
    %swap3A_15 = arith.constant 0.000000e+00 : f32
    %swap3A_16 = arith.constant 0 : index
    %swap3A_17 = memref.load %arg11[%swap3A_16] : memref<2xf32, #tpu.memory_space<smem>>
    memref.store %swap3A_15, %arg11[%swap3A_16] : memref<2xf32, #tpu.memory_space<smem>>
    %scan3A_18 = arith.constant 0 : i32
    %scan3A_19 = arith.constant 20 : i32
    %scan3A_20 = arith.addi %scan3A_18, %scan3A_19 : i32
    %scan3A_21 = arith.constant 1 : i32
    scf.for %scan3A_53 = %scan3A_18 to %scan3A_20 step %scan3A_21  : i32 {
      %mul3A = arith.constant 256 : i32
      %mul3A_54 = arith.muli %scan3A_53, %mul3A : i32
      %ge3A = arith.constant 0 : i32
      %ge3A_55 = arith.cmpi sge, %scan3A_53, %ge3A : i32
      %convert_element_type3A = arith.extui %ge3A_55 : i1 to i32
      %cond3A = arith.constant 0 : i32
      %cond3A_56 = arith.cmpi ne, %convert_element_type3A, %cond3A : i32
      scf.if %cond3A_56 {
        %get3A_57 = arith.constant 0 : index
        %get3A_58 = arith.constant 0 : index
        %get3A_59 = arith.index_cast %mul3A_54 : i32 to index
        %get3A_60 = vector.load %arg6[%get3A_57, %get3A_58, %get3A_59] : memref<1x1x5120xf32, #tpu.memory_space<vmem>>, vector<1x1x256xf32>
        %get3A_61 = vector.shape_cast %get3A_60 : vector<1x1x256xf32> to vector<1x256xf32>
        %broadcast_in_dim3A_62 = arith.constant 0.000000e+00 : f32
        %broadcast_in_dim3A_63 = vector.broadcast %broadcast_in_dim3A_62 : f32 to vector<1x256xf32>
        %while3A = arith.constant 0 : i32
        %while3A_64 = arith.subi %scan3A_53, %while3A : i32
        %while3A_65 = arith.addi %while3A, %while3A_64 : i32
        %while3A_66 = arith.constant 1 : i32
        %while3A_67 = arith.divsi %while3A_64, %while3A_66 : i32
        %while3A_68 = arith.muli %while3A_67, %while3A_66 : i32
        %while3A_69 = arith.addi %while3A, %while3A_68 : i32
        %while3A_70 = arith.constant 1 : i32
        %while3A_71 = scf.for %while3A_195 = %while3A to %while3A_69 step %while3A_70 iter_args(%while3A_196 = %broadcast_in_dim3A_63) -> (vector<1x256xf32>)  : i32 {
          %mul3A_197 = arith.constant 256 : i32
          %mul3A_198 = arith.muli %while3A_195, %mul3A_197 : i32
          %get3A_199 = arith.constant 0 : index
          %get3A_200 = arith.index_cast %mul3A_198 : i32 to index
          %get3A_201 = vector.load %arg10[%get3A_199, %get3A_200] : memref<1x5120xf32, #tpu.memory_space<vmem>>, vector<1x256xf32>
          %mul3A_202 = arith.constant 256 : i32
          %mul3A_203 = arith.muli %while3A_195, %mul3A_202 : i32
          %get3A_204 = arith.constant 0 : index
          %get3A_205 = arith.index_cast %mul3A_203 : i32 to index
          %get3A_206 = arith.constant 4 : index
          %get3A_207 = vector.load %arg4[%get3A_204, %get3A_205, %get3A_206] : memref<1x5120x5xf32, #tpu.memory_space<vmem>>, vector<1x256x1xf32>
          %get3A_208 = vector.shape_cast %get3A_207 : vector<1x256x1xf32> to vector<256x1xf32>
          %mul3A_209 = arith.constant 4.096000e+03 : f32
          %mul3A_210 = vector.broadcast %mul3A_209 : f32 to vector<256x1xf32>
          %mul3A_211 = arith.mulf %get3A_208, %mul3A_210 : vector<256x1xf32>
          %get3A_212 = arith.constant 0 : index
          %get3A_213 = arith.constant 4 : index
          %get3A_214 = arith.index_cast %mul3A_54 : i32 to index
          %get3A_215 = vector.load %arg5[%get3A_212, %get3A_213, %get3A_214] : memref<1x5x5120xf32, #tpu.memory_space<vmem>>, vector<1x1x256xf32>
          %get3A_216 = vector.shape_cast %get3A_215 : vector<1x1x256xf32> to vector<1x256xf32>
          %mul3A_217 = arith.constant 4.096000e+03 : f32
          %mul3A_218 = vector.broadcast %mul3A_217 : f32 to vector<1x256xf32>
          %mul3A_219 = arith.mulf %get3A_216, %mul3A_218 : vector<1x256xf32>
          %get3A_220 = arith.constant 0 : index
          %get3A_221 = arith.index_cast %mul3A_203 : i32 to index
          %get3A_222 = arith.constant 0 : index
          %get3A_223 = vector.load %arg4[%get3A_220, %get3A_221, %get3A_222] : memref<1x5120x5xf32, #tpu.memory_space<vmem>>, vector<1x256x1xf32>
          %get3A_224 = vector.shape_cast %get3A_223 : vector<1x256x1xf32> to vector<256x1xf32>
          %add3A_225 = arith.addf %get3A_224, %mul3A_211 : vector<256x1xf32>
          %get3A_226 = arith.constant 0 : index
          %get3A_227 = arith.index_cast %mul3A_203 : i32 to index
          %get3A_228 = arith.constant 1 : index
          %get3A_229 = vector.load %arg4[%get3A_226, %get3A_227, %get3A_228] : memref<1x5120x5xf32, #tpu.memory_space<vmem>>, vector<1x256x1xf32>
          %get3A_230 = vector.shape_cast %get3A_229 : vector<1x256x1xf32> to vector<256x1xf32>
          %add3A_231 = arith.addf %get3A_230, %mul3A_211 : vector<256x1xf32>
          %get3A_232 = arith.constant 0 : index
          %get3A_233 = arith.index_cast %mul3A_203 : i32 to index
          %get3A_234 = arith.constant 2 : index
          %get3A_235 = vector.load %arg4[%get3A_232, %get3A_233, %get3A_234] : memref<1x5120x5xf32, #tpu.memory_space<vmem>>, vector<1x256x1xf32>
          %get3A_236 = vector.shape_cast %get3A_235 : vector<1x256x1xf32> to vector<256x1xf32>
          %add3A_237 = arith.addf %get3A_236, %mul3A_211 : vector<256x1xf32>
          %get3A_238 = arith.constant 0 : index
          %get3A_239 = arith.index_cast %mul3A_203 : i32 to index
          %get3A_240 = arith.constant 3 : index
          %get3A_241 = vector.load %arg4[%get3A_238, %get3A_239, %get3A_240] : memref<1x5120x5xf32, #tpu.memory_space<vmem>>, vector<1x256x1xf32>
          %get3A_242 = vector.shape_cast %get3A_241 : vector<1x256x1xf32> to vector<256x1xf32>
          %add3A_243 = arith.addf %get3A_242, %mul3A_211 : vector<256x1xf32>
          %get3A_244 = arith.constant 0 : index
          %get3A_245 = arith.constant 0 : index
          %get3A_246 = arith.index_cast %mul3A_54 : i32 to index
          %get3A_247 = vector.load %arg5[%get3A_244, %get3A_245, %get3A_246] : memref<1x5x5120xf32, #tpu.memory_space<vmem>>, vector<1x1x256xf32>
          %get3A_248 = vector.shape_cast %get3A_247 : vector<1x1x256xf32> to vector<1x256xf32>
          %add3A_249 = arith.addf %get3A_248, %mul3A_219 : vector<1x256xf32>
          %get3A_250 = arith.constant 0 : index
          %get3A_251 = arith.constant 1 : index
          %get3A_252 = arith.index_cast %mul3A_54 : i32 to index
          %get3A_253 = vector.load %arg5[%get3A_250, %get3A_251, %get3A_252] : memref<1x5x5120xf32, #tpu.memory_space<vmem>>, vector<1x1x256xf32>
          %get3A_254 = vector.shape_cast %get3A_253 : vector<1x1x256xf32> to vector<1x256xf32>
          %add3A_255 = arith.addf %get3A_254, %mul3A_219 : vector<1x256xf32>
          %get3A_256 = arith.constant 0 : index
          %get3A_257 = arith.constant 2 : index
          %get3A_258 = arith.index_cast %mul3A_54 : i32 to index
          %get3A_259 = vector.load %arg5[%get3A_256, %get3A_257, %get3A_258] : memref<1x5x5120xf32, #tpu.memory_space<vmem>>, vector<1x1x256xf32>
          %get3A_260 = vector.shape_cast %get3A_259 : vector<1x1x256xf32> to vector<1x256xf32>
          %add3A_261 = arith.addf %get3A_260, %mul3A_219 : vector<1x256xf32>
          %get3A_262 = arith.constant 0 : index
          %get3A_263 = arith.constant 3 : index
          %get3A_264 = arith.index_cast %mul3A_54 : i32 to index
          %get3A_265 = vector.load %arg5[%get3A_262, %get3A_263, %get3A_264] : memref<1x5x5120xf32, #tpu.memory_space<vmem>>, vector<1x1x256xf32>
          %get3A_266 = vector.shape_cast %get3A_265 : vector<1x1x256xf32> to vector<1x256xf32>
          %add3A_267 = arith.addf %get3A_266, %mul3A_219 : vector<1x256xf32>
          %min3A_268 = vector.broadcast %add3A_237 : vector<256x1xf32> to vector<256x256xf32>
          %min3A_269 = vector.broadcast %add3A_261 : vector<1x256xf32> to vector<256x256xf32>
          %min3A_270 = arith.minimumf %min3A_268, %min3A_269 : vector<256x256xf32>
          %max3A_271 = vector.broadcast %add3A_225 : vector<256x1xf32> to vector<256x256xf32>
          %max3A_272 = vector.broadcast %add3A_249 : vector<1x256xf32> to vector<256x256xf32>
          %max3A_273 = arith.maximumf %max3A_271, %max3A_272 : vector<256x256xf32>
          %sub3A_274 = arith.subf %min3A_270, %max3A_273 : vector<256x256xf32>
          %max3A_275 = arith.constant 0.000000e+00 : f32
          %max3A_276 = vector.broadcast %max3A_275 : f32 to vector<256x256xf32>
          %max3A_277 = arith.maximumf %sub3A_274, %max3A_276 : vector<256x256xf32>
          %min3A_278 = vector.broadcast %add3A_243 : vector<256x1xf32> to vector<256x256xf32>
          %min3A_279 = vector.broadcast %add3A_267 : vector<1x256xf32> to vector<256x256xf32>
          %min3A_280 = arith.minimumf %min3A_278, %min3A_279 : vector<256x256xf32>
          %max3A_281 = vector.broadcast %add3A_231 : vector<256x1xf32> to vector<256x256xf32>
          %max3A_282 = vector.broadcast %add3A_255 : vector<1x256xf32> to vector<256x256xf32>
          %max3A_283 = arith.maximumf %max3A_281, %max3A_282 : vector<256x256xf32>
          %sub3A_284 = arith.subf %min3A_280, %max3A_283 : vector<256x256xf32>
          %max3A_285 = arith.constant 0.000000e+00 : f32
          %max3A_286 = vector.broadcast %max3A_285 : f32 to vector<256x256xf32>
          %max3A_287 = arith.maximumf %sub3A_284, %max3A_286 : vector<256x256xf32>
          %mul3A_288 = arith.mulf %max3A_277, %max3A_287 : vector<256x256xf32>
          %sub3A_289 = arith.subf %add3A_237, %add3A_225 : vector<256x1xf32>
          %sub3A_290 = arith.subf %add3A_243, %add3A_231 : vector<256x1xf32>
          %mul3A_291 = arith.mulf %sub3A_289, %sub3A_290 : vector<256x1xf32>
          %sub3A_292 = arith.subf %add3A_261, %add3A_249 : vector<1x256xf32>
          %sub3A_293 = arith.subf %add3A_267, %add3A_255 : vector<1x256xf32>
          %mul3A_294 = arith.mulf %sub3A_292, %sub3A_293 : vector<1x256xf32>
          %add3A_295 = vector.broadcast %mul3A_291 : vector<256x1xf32> to vector<256x256xf32>
          %add3A_296 = vector.broadcast %mul3A_294 : vector<1x256xf32> to vector<256x256xf32>
          %add3A_297 = arith.addf %add3A_295, %add3A_296 : vector<256x256xf32>
          %sub3A_298 = arith.subf %add3A_297, %mul3A_288 : vector<256x256xf32>
          %mul3A_299 = arith.constant 4.500000e-01 : f32
          %mul3A_300 = vector.broadcast %mul3A_299 : f32 to vector<256x256xf32>
          %mul3A_301 = arith.mulf %mul3A_300, %sub3A_298 : vector<256x256xf32>
          %gt3A_302 = arith.cmpf ogt, %mul3A_288, %mul3A_301 : vector<256x256xf32>
          %eq3A_303 = arith.constant 0.000000e+00 : f32
          %eq3A_304 = vector.broadcast %eq3A_303 : f32 to vector<256x256xf32>
          %eq3A_305 = arith.cmpf oeq, %sub3A_298, %eq3A_304 : vector<256x256xf32>
          %or3A_306 = arith.ori %gt3A_302, %eq3A_305 : vector<256x256xi1>
          %convert_element_type3A_307 = arith.extui %or3A_306 : vector<256x256xi1> to vector<256x256xi32>
          %convert_element_type3A_308 = arith.sitofp %convert_element_type3A_307 : vector<256x256xi32> to vector<256x256xf32>
          %dot_general3A = arith.constant dense<0.000000e+00> : vector<1x256xf32>
          %dot_general3A_309 = tpu.matmul %get3A_201, %convert_element_type3A_308, %dot_general3A {dimension_numbers = #tpu.dot_dimension_numbers<[1], [0], [0], [1], [0, 0, 1, 1], [], []>, transpose_lhs_hint = false} : vector<1x256xf32>, vector<256x256xf32>, vector<1x256xf32> -> vector<1x256xf32>
          %add3A_310 = arith.addf %while3A_196, %dot_general3A_309 : vector<1x256xf32>
          scf.yield %add3A_310 : vector<1x256xf32>
        }
        %while3A_72 = arith.constant 1 : i32
        %while3A_73 = scf.for %while3A_195 = %while3A_69 to %while3A_65 step %while3A_72 iter_args(%while3A_196 = %while3A_71) -> (vector<1x256xf32>)  : i32 {
          %mul3A_197 = arith.constant 256 : i32
          %mul3A_198 = arith.muli %while3A_195, %mul3A_197 : i32
          %get3A_199 = arith.constant 0 : index
          %get3A_200 = arith.index_cast %mul3A_198 : i32 to index
          %get3A_201 = vector.load %arg10[%get3A_199, %get3A_200] : memref<1x5120xf32, #tpu.memory_space<vmem>>, vector<1x256xf32>
          %mul3A_202 = arith.constant 256 : i32
          %mul3A_203 = arith.muli %while3A_195, %mul3A_202 : i32
          %get3A_204 = arith.constant 0 : index
          %get3A_205 = arith.index_cast %mul3A_203 : i32 to index
          %get3A_206 = arith.constant 4 : index
          %get3A_207 = vector.load %arg4[%get3A_204, %get3A_205, %get3A_206] : memref<1x5120x5xf32, #tpu.memory_space<vmem>>, vector<1x256x1xf32>
          %get3A_208 = vector.shape_cast %get3A_207 : vector<1x256x1xf32> to vector<256x1xf32>
          %mul3A_209 = arith.constant 4.096000e+03 : f32
          %mul3A_210 = vector.broadcast %mul3A_209 : f32 to vector<256x1xf32>
          %mul3A_211 = arith.mulf %get3A_208, %mul3A_210 : vector<256x1xf32>
          %get3A_212 = arith.constant 0 : index
          %get3A_213 = arith.constant 4 : index
          %get3A_214 = arith.index_cast %mul3A_54 : i32 to index
          %get3A_215 = vector.load %arg5[%get3A_212, %get3A_213, %get3A_214] : memref<1x5x5120xf32, #tpu.memory_space<vmem>>, vector<1x1x256xf32>
          %get3A_216 = vector.shape_cast %get3A_215 : vector<1x1x256xf32> to vector<1x256xf32>
          %mul3A_217 = arith.constant 4.096000e+03 : f32
          %mul3A_218 = vector.broadcast %mul3A_217 : f32 to vector<1x256xf32>
          %mul3A_219 = arith.mulf %get3A_216, %mul3A_218 : vector<1x256xf32>
          %get3A_220 = arith.constant 0 : index
          %get3A_221 = arith.index_cast %mul3A_203 : i32 to index
          %get3A_222 = arith.constant 0 : index
          %get3A_223 = vector.load %arg4[%get3A_220, %get3A_221, %get3A_222] : memref<1x5120x5xf32, #tpu.memory_space<vmem>>, vector<1x256x1xf32>
          %get3A_224 = vector.shape_cast %get3A_223 : vector<1x256x1xf32> to vector<256x1xf32>
          %add3A_225 = arith.addf %get3A_224, %mul3A_211 : vector<256x1xf32>
          %get3A_226 = arith.constant 0 : index
          %get3A_227 = arith.index_cast %mul3A_203 : i32 to index
          %get3A_228 = arith.constant 1 : index
          %get3A_229 = vector.load %arg4[%get3A_226, %get3A_227, %get3A_228] : memref<1x5120x5xf32, #tpu.memory_space<vmem>>, vector<1x256x1xf32>
          %get3A_230 = vector.shape_cast %get3A_229 : vector<1x256x1xf32> to vector<256x1xf32>
          %add3A_231 = arith.addf %get3A_230, %mul3A_211 : vector<256x1xf32>
          %get3A_232 = arith.constant 0 : index
          %get3A_233 = arith.index_cast %mul3A_203 : i32 to index
          %get3A_234 = arith.constant 2 : index
          %get3A_235 = vector.load %arg4[%get3A_232, %get3A_233, %get3A_234] : memref<1x5120x5xf32, #tpu.memory_space<vmem>>, vector<1x256x1xf32>
          %get3A_236 = vector.shape_cast %get3A_235 : vector<1x256x1xf32> to vector<256x1xf32>
          %add3A_237 = arith.addf %get3A_236, %mul3A_211 : vector<256x1xf32>
          %get3A_238 = arith.constant 0 : index
          %get3A_239 = arith.index_cast %mul3A_203 : i32 to index
          %get3A_240 = arith.constant 3 : index
          %get3A_241 = vector.load %arg4[%get3A_238, %get3A_239, %get3A_240] : memref<1x5120x5xf32, #tpu.memory_space<vmem>>, vector<1x256x1xf32>
          %get3A_242 = vector.shape_cast %get3A_241 : vector<1x256x1xf32> to vector<256x1xf32>
          %add3A_243 = arith.addf %get3A_242, %mul3A_211 : vector<256x1xf32>
          %get3A_244 = arith.constant 0 : index
          %get3A_245 = arith.constant 0 : index
          %get3A_246 = arith.index_cast %mul3A_54 : i32 to index
          %get3A_247 = vector.load %arg5[%get3A_244, %get3A_245, %get3A_246] : memref<1x5x5120xf32, #tpu.memory_space<vmem>>, vector<1x1x256xf32>
          %get3A_248 = vector.shape_cast %get3A_247 : vector<1x1x256xf32> to vector<1x256xf32>
          %add3A_249 = arith.addf %get3A_248, %mul3A_219 : vector<1x256xf32>
          %get3A_250 = arith.constant 0 : index
          %get3A_251 = arith.constant 1 : index
          %get3A_252 = arith.index_cast %mul3A_54 : i32 to index
          %get3A_253 = vector.load %arg5[%get3A_250, %get3A_251, %get3A_252] : memref<1x5x5120xf32, #tpu.memory_space<vmem>>, vector<1x1x256xf32>
          %get3A_254 = vector.shape_cast %get3A_253 : vector<1x1x256xf32> to vector<1x256xf32>
          %add3A_255 = arith.addf %get3A_254, %mul3A_219 : vector<1x256xf32>
          %get3A_256 = arith.constant 0 : index
          %get3A_257 = arith.constant 2 : index
          %get3A_258 = arith.index_cast %mul3A_54 : i32 to index
          %get3A_259 = vector.load %arg5[%get3A_256, %get3A_257, %get3A_258] : memref<1x5x5120xf32, #tpu.memory_space<vmem>>, vector<1x1x256xf32>
          %get3A_260 = vector.shape_cast %get3A_259 : vector<1x1x256xf32> to vector<1x256xf32>
          %add3A_261 = arith.addf %get3A_260, %mul3A_219 : vector<1x256xf32>
          %get3A_262 = arith.constant 0 : index
          %get3A_263 = arith.constant 3 : index
          %get3A_264 = arith.index_cast %mul3A_54 : i32 to index
          %get3A_265 = vector.load %arg5[%get3A_262, %get3A_263, %get3A_264] : memref<1x5x5120xf32, #tpu.memory_space<vmem>>, vector<1x1x256xf32>
          %get3A_266 = vector.shape_cast %get3A_265 : vector<1x1x256xf32> to vector<1x256xf32>
          %add3A_267 = arith.addf %get3A_266, %mul3A_219 : vector<1x256xf32>
          %min3A_268 = vector.broadcast %add3A_237 : vector<256x1xf32> to vector<256x256xf32>
          %min3A_269 = vector.broadcast %add3A_261 : vector<1x256xf32> to vector<256x256xf32>
          %min3A_270 = arith.minimumf %min3A_268, %min3A_269 : vector<256x256xf32>
          %max3A_271 = vector.broadcast %add3A_225 : vector<256x1xf32> to vector<256x256xf32>
          %max3A_272 = vector.broadcast %add3A_249 : vector<1x256xf32> to vector<256x256xf32>
          %max3A_273 = arith.maximumf %max3A_271, %max3A_272 : vector<256x256xf32>
          %sub3A_274 = arith.subf %min3A_270, %max3A_273 : vector<256x256xf32>
          %max3A_275 = arith.constant 0.000000e+00 : f32
          %max3A_276 = vector.broadcast %max3A_275 : f32 to vector<256x256xf32>
          %max3A_277 = arith.maximumf %sub3A_274, %max3A_276 : vector<256x256xf32>
          %min3A_278 = vector.broadcast %add3A_243 : vector<256x1xf32> to vector<256x256xf32>
          %min3A_279 = vector.broadcast %add3A_267 : vector<1x256xf32> to vector<256x256xf32>
          %min3A_280 = arith.minimumf %min3A_278, %min3A_279 : vector<256x256xf32>
          %max3A_281 = vector.broadcast %add3A_231 : vector<256x1xf32> to vector<256x256xf32>
          %max3A_282 = vector.broadcast %add3A_255 : vector<1x256xf32> to vector<256x256xf32>
          %max3A_283 = arith.maximumf %max3A_281, %max3A_282 : vector<256x256xf32>
          %sub3A_284 = arith.subf %min3A_280, %max3A_283 : vector<256x256xf32>
          %max3A_285 = arith.constant 0.000000e+00 : f32
          %max3A_286 = vector.broadcast %max3A_285 : f32 to vector<256x256xf32>
          %max3A_287 = arith.maximumf %sub3A_284, %max3A_286 : vector<256x256xf32>
          %mul3A_288 = arith.mulf %max3A_277, %max3A_287 : vector<256x256xf32>
          %sub3A_289 = arith.subf %add3A_237, %add3A_225 : vector<256x1xf32>
          %sub3A_290 = arith.subf %add3A_243, %add3A_231 : vector<256x1xf32>
          %mul3A_291 = arith.mulf %sub3A_289, %sub3A_290 : vector<256x1xf32>
          %sub3A_292 = arith.subf %add3A_261, %add3A_249 : vector<1x256xf32>
          %sub3A_293 = arith.subf %add3A_267, %add3A_255 : vector<1x256xf32>
          %mul3A_294 = arith.mulf %sub3A_292, %sub3A_293 : vector<1x256xf32>
          %add3A_295 = vector.broadcast %mul3A_291 : vector<256x1xf32> to vector<256x256xf32>
          %add3A_296 = vector.broadcast %mul3A_294 : vector<1x256xf32> to vector<256x256xf32>
          %add3A_297 = arith.addf %add3A_295, %add3A_296 : vector<256x256xf32>
          %sub3A_298 = arith.subf %add3A_297, %mul3A_288 : vector<256x256xf32>
          %mul3A_299 = arith.constant 4.500000e-01 : f32
          %mul3A_300 = vector.broadcast %mul3A_299 : f32 to vector<256x256xf32>
          %mul3A_301 = arith.mulf %mul3A_300, %sub3A_298 : vector<256x256xf32>
          %gt3A_302 = arith.cmpf ogt, %mul3A_288, %mul3A_301 : vector<256x256xf32>
          %eq3A_303 = arith.constant 0.000000e+00 : f32
          %eq3A_304 = vector.broadcast %eq3A_303 : f32 to vector<256x256xf32>
          %eq3A_305 = arith.cmpf oeq, %sub3A_298, %eq3A_304 : vector<256x256xf32>
          %or3A_306 = arith.ori %gt3A_302, %eq3A_305 : vector<256x256xi1>
          %convert_element_type3A_307 = arith.extui %or3A_306 : vector<256x256xi1> to vector<256x256xi32>
          %convert_element_type3A_308 = arith.sitofp %convert_element_type3A_307 : vector<256x256xi32> to vector<256x256xf32>
          %dot_general3A = arith.constant dense<0.000000e+00> : vector<1x256xf32>
          %dot_general3A_309 = tpu.matmul %get3A_201, %convert_element_type3A_308, %dot_general3A {dimension_numbers = #tpu.dot_dimension_numbers<[1], [0], [0], [1], [0, 0, 1, 1], [], []>, transpose_lhs_hint = false} : vector<1x256xf32>, vector<256x256xf32>, vector<1x256xf32> -> vector<1x256xf32>
          %add3A_310 = arith.addf %while3A_196, %dot_general3A_309 : vector<1x256xf32>
          scf.yield %add3A_310 : vector<1x256xf32>
        }
        %eq3A = arith.constant 0.000000e+00 : f32
        %eq3A_74 = vector.broadcast %eq3A : f32 to vector<1x256xf32>
        %eq3A_75 = arith.cmpf oeq, %while3A_73, %eq3A_74 : vector<1x256xf32>
        %jit3A = arith.constant 0.000000e+00 : f32
        %broadcast_in_dim3A_76 = vector.broadcast %jit3A : f32 to vector<1x256xf32>
        %select_n3A = arith.select %eq3A_75, %get3A_61, %broadcast_in_dim3A_76 : vector<1x256xi1>, vector<1x256xf32>
        %iota3A = tpu.iota {dimensions = array<i32: 0>} : vector<256x256xi32>
        %iota3A_77 = tpu.iota {dimensions = array<i32: 1>} : vector<256x256xi32>
        %lt3A = arith.cmpi slt, %iota3A, %iota3A_77 : vector<256x256xi32>
        %get3A_78 = arith.constant 0 : index
        %get3A_79 = arith.index_cast %mul3A_54 : i32 to index
        %get3A_80 = arith.constant 4 : index
        %get3A_81 = vector.load %arg4[%get3A_78, %get3A_79, %get3A_80] : memref<1x5120x5xf32, #tpu.memory_space<vmem>>, vector<1x256x1xf32>
        %get3A_82 = vector.shape_cast %get3A_81 : vector<1x256x1xf32> to vector<256x1xf32>
        %mul3A_83 = arith.constant 4.096000e+03 : f32
        %mul3A_84 = vector.broadcast %mul3A_83 : f32 to vector<256x1xf32>
        %mul3A_85 = arith.mulf %get3A_82, %mul3A_84 : vector<256x1xf32>
        %get3A_86 = arith.constant 0 : index
        %get3A_87 = arith.constant 4 : index
        %get3A_88 = arith.index_cast %mul3A_54 : i32 to index
        %get3A_89 = vector.load %arg5[%get3A_86, %get3A_87, %get3A_88] : memref<1x5x5120xf32, #tpu.memory_space<vmem>>, vector<1x1x256xf32>
        %get3A_90 = vector.shape_cast %get3A_89 : vector<1x1x256xf32> to vector<1x256xf32>
        %mul3A_91 = arith.constant 4.096000e+03 : f32
        %mul3A_92 = vector.broadcast %mul3A_91 : f32 to vector<1x256xf32>
        %mul3A_93 = arith.mulf %get3A_90, %mul3A_92 : vector<1x256xf32>
        %get3A_94 = arith.constant 0 : index
        %get3A_95 = arith.index_cast %mul3A_54 : i32 to index
        %get3A_96 = arith.constant 0 : index
        %get3A_97 = vector.load %arg4[%get3A_94, %get3A_95, %get3A_96] : memref<1x5120x5xf32, #tpu.memory_space<vmem>>, vector<1x256x1xf32>
        %get3A_98 = vector.shape_cast %get3A_97 : vector<1x256x1xf32> to vector<256x1xf32>
        %add3A = arith.addf %get3A_98, %mul3A_85 : vector<256x1xf32>
        %get3A_99 = arith.constant 0 : index
        %get3A_100 = arith.index_cast %mul3A_54 : i32 to index
        %get3A_101 = arith.constant 1 : index
        %get3A_102 = vector.load %arg4[%get3A_99, %get3A_100, %get3A_101] : memref<1x5120x5xf32, #tpu.memory_space<vmem>>, vector<1x256x1xf32>
        %get3A_103 = vector.shape_cast %get3A_102 : vector<1x256x1xf32> to vector<256x1xf32>
        %add3A_104 = arith.addf %get3A_103, %mul3A_85 : vector<256x1xf32>
        %get3A_105 = arith.constant 0 : index
        %get3A_106 = arith.index_cast %mul3A_54 : i32 to index
        %get3A_107 = arith.constant 2 : index
        %get3A_108 = vector.load %arg4[%get3A_105, %get3A_106, %get3A_107] : memref<1x5120x5xf32, #tpu.memory_space<vmem>>, vector<1x256x1xf32>
        %get3A_109 = vector.shape_cast %get3A_108 : vector<1x256x1xf32> to vector<256x1xf32>
        %add3A_110 = arith.addf %get3A_109, %mul3A_85 : vector<256x1xf32>
        %get3A_111 = arith.constant 0 : index
        %get3A_112 = arith.index_cast %mul3A_54 : i32 to index
        %get3A_113 = arith.constant 3 : index
        %get3A_114 = vector.load %arg4[%get3A_111, %get3A_112, %get3A_113] : memref<1x5120x5xf32, #tpu.memory_space<vmem>>, vector<1x256x1xf32>
        %get3A_115 = vector.shape_cast %get3A_114 : vector<1x256x1xf32> to vector<256x1xf32>
        %add3A_116 = arith.addf %get3A_115, %mul3A_85 : vector<256x1xf32>
        %get3A_117 = arith.constant 0 : index
        %get3A_118 = arith.constant 0 : index
        %get3A_119 = arith.index_cast %mul3A_54 : i32 to index
        %get3A_120 = vector.load %arg5[%get3A_117, %get3A_118, %get3A_119] : memref<1x5x5120xf32, #tpu.memory_space<vmem>>, vector<1x1x256xf32>
        %get3A_121 = vector.shape_cast %get3A_120 : vector<1x1x256xf32> to vector<1x256xf32>
        %add3A_122 = arith.addf %get3A_121, %mul3A_93 : vector<1x256xf32>
        %get3A_123 = arith.constant 0 : index
        %get3A_124 = arith.constant 1 : index
        %get3A_125 = arith.index_cast %mul3A_54 : i32 to index
        %get3A_126 = vector.load %arg5[%get3A_123, %get3A_124, %get3A_125] : memref<1x5x5120xf32, #tpu.memory_space<vmem>>, vector<1x1x256xf32>
        %get3A_127 = vector.shape_cast %get3A_126 : vector<1x1x256xf32> to vector<1x256xf32>
        %add3A_128 = arith.addf %get3A_127, %mul3A_93 : vector<1x256xf32>
        %get3A_129 = arith.constant 0 : index
        %get3A_130 = arith.constant 2 : index
        %get3A_131 = arith.index_cast %mul3A_54 : i32 to index
        %get3A_132 = vector.load %arg5[%get3A_129, %get3A_130, %get3A_131] : memref<1x5x5120xf32, #tpu.memory_space<vmem>>, vector<1x1x256xf32>
        %get3A_133 = vector.shape_cast %get3A_132 : vector<1x1x256xf32> to vector<1x256xf32>
        %add3A_134 = arith.addf %get3A_133, %mul3A_93 : vector<1x256xf32>
        %get3A_135 = arith.constant 0 : index
        %get3A_136 = arith.constant 3 : index
        %get3A_137 = arith.index_cast %mul3A_54 : i32 to index
        %get3A_138 = vector.load %arg5[%get3A_135, %get3A_136, %get3A_137] : memref<1x5x5120xf32, #tpu.memory_space<vmem>>, vector<1x1x256xf32>
        %get3A_139 = vector.shape_cast %get3A_138 : vector<1x1x256xf32> to vector<1x256xf32>
        %add3A_140 = arith.addf %get3A_139, %mul3A_93 : vector<1x256xf32>
        %min3A = vector.broadcast %add3A_110 : vector<256x1xf32> to vector<256x256xf32>
        %min3A_141 = vector.broadcast %add3A_134 : vector<1x256xf32> to vector<256x256xf32>
        %min3A_142 = arith.minimumf %min3A, %min3A_141 : vector<256x256xf32>
        %max3A = vector.broadcast %add3A : vector<256x1xf32> to vector<256x256xf32>
        %max3A_143 = vector.broadcast %add3A_122 : vector<1x256xf32> to vector<256x256xf32>
        %max3A_144 = arith.maximumf %max3A, %max3A_143 : vector<256x256xf32>
        %sub3A = arith.subf %min3A_142, %max3A_144 : vector<256x256xf32>
        %max3A_145 = arith.constant 0.000000e+00 : f32
        %max3A_146 = vector.broadcast %max3A_145 : f32 to vector<256x256xf32>
        %max3A_147 = arith.maximumf %sub3A, %max3A_146 : vector<256x256xf32>
        %min3A_148 = vector.broadcast %add3A_116 : vector<256x1xf32> to vector<256x256xf32>
        %min3A_149 = vector.broadcast %add3A_140 : vector<1x256xf32> to vector<256x256xf32>
        %min3A_150 = arith.minimumf %min3A_148, %min3A_149 : vector<256x256xf32>
        %max3A_151 = vector.broadcast %add3A_104 : vector<256x1xf32> to vector<256x256xf32>
        %max3A_152 = vector.broadcast %add3A_128 : vector<1x256xf32> to vector<256x256xf32>
        %max3A_153 = arith.maximumf %max3A_151, %max3A_152 : vector<256x256xf32>
        %sub3A_154 = arith.subf %min3A_150, %max3A_153 : vector<256x256xf32>
        %max3A_155 = arith.constant 0.000000e+00 : f32
        %max3A_156 = vector.broadcast %max3A_155 : f32 to vector<256x256xf32>
        %max3A_157 = arith.maximumf %sub3A_154, %max3A_156 : vector<256x256xf32>
        %mul3A_158 = arith.mulf %max3A_147, %max3A_157 : vector<256x256xf32>
        %sub3A_159 = arith.subf %add3A_110, %add3A : vector<256x1xf32>
        %sub3A_160 = arith.subf %add3A_116, %add3A_104 : vector<256x1xf32>
        %mul3A_161 = arith.mulf %sub3A_159, %sub3A_160 : vector<256x1xf32>
        %sub3A_162 = arith.subf %add3A_134, %add3A_122 : vector<1x256xf32>
        %sub3A_163 = arith.subf %add3A_140, %add3A_128 : vector<1x256xf32>
        %mul3A_164 = arith.mulf %sub3A_162, %sub3A_163 : vector<1x256xf32>
        %add3A_165 = vector.broadcast %mul3A_161 : vector<256x1xf32> to vector<256x256xf32>
        %add3A_166 = vector.broadcast %mul3A_164 : vector<1x256xf32> to vector<256x256xf32>
        %add3A_167 = arith.addf %add3A_165, %add3A_166 : vector<256x256xf32>
        %sub3A_168 = arith.subf %add3A_167, %mul3A_158 : vector<256x256xf32>
        %mul3A_169 = arith.constant 4.500000e-01 : f32
        %mul3A_170 = vector.broadcast %mul3A_169 : f32 to vector<256x256xf32>
        %mul3A_171 = arith.mulf %mul3A_170, %sub3A_168 : vector<256x256xf32>
        %gt3A = arith.cmpf ogt, %mul3A_158, %mul3A_171 : vector<256x256xf32>
        %eq3A_172 = arith.constant 0.000000e+00 : f32
        %eq3A_173 = vector.broadcast %eq3A_172 : f32 to vector<256x256xf32>
        %eq3A_174 = arith.cmpf oeq, %sub3A_168, %eq3A_173 : vector<256x256xf32>
        %or3A = arith.ori %gt3A, %eq3A_174 : vector<256x256xi1>
        %convert_element_type3A_175 = arith.extui %or3A : vector<256x256xi1> to vector<256x256xi32>
        %convert_element_type3A_176 = arith.sitofp %convert_element_type3A_175 : vector<256x256xi32> to vector<256x256xf32>
        %jit3A_177 = arith.constant 0.000000e+00 : f32
        %broadcast_in_dim3A_178 = vector.broadcast %jit3A_177 : f32 to vector<256x256xf32>
        %select_n3A_179 = arith.select %lt3A, %convert_element_type3A_176, %broadcast_in_dim3A_178 : vector<256x256xi1>, vector<256x256xf32>
        %while3A_180 = arith.constant true
        %while3A_181:2 = scf.while (%while3A_195 = %select_n3A, %while3A_196 = %while3A_180) : (vector<1x256xf32>, i1) -> (vector<1x256xf32>, i1) {
          scf.condition(%while3A_196) %while3A_195, %while3A_196 : vector<1x256xf32>, i1
        } do {
        ^bb0(%while3A_195: vector<1x256xf32>, %while3A_196: i1):
          %dot_general3A = arith.constant dense<0.000000e+00> : vector<1x256xf32>
          %dot_general3A_197 = tpu.matmul %while3A_195, %select_n3A_179, %dot_general3A {dimension_numbers = #tpu.dot_dimension_numbers<[1], [0], [0], [1], [0, 0, 1, 1], [], []>, transpose_lhs_hint = false} : vector<1x256xf32>, vector<256x256xf32>, vector<1x256xf32> -> vector<1x256xf32>
          %eq3A_198 = arith.constant 0.000000e+00 : f32
          %eq3A_199 = vector.broadcast %eq3A_198 : f32 to vector<1x256xf32>
          %eq3A_200 = arith.cmpf oeq, %dot_general3A_197, %eq3A_199 : vector<1x256xf32>
          %jit3A_201 = arith.constant 0.000000e+00 : f32
          %broadcast_in_dim3A_202 = vector.broadcast %jit3A_201 : f32 to vector<1x256xf32>
          %select_n3A_203 = arith.select %eq3A_200, %select_n3A, %broadcast_in_dim3A_202 : vector<1x256xi1>, vector<1x256xf32>
          %ne3A = arith.cmpf one, %select_n3A_203, %while3A_195 : vector<1x256xf32>
          %reduce_or3A = arith.constant 1.000000e+00 : f32
          %reduce_or3A_204 = arith.constant 0.000000e+00 : f32
          %reduce_or3A_205 = vector.broadcast %reduce_or3A : f32 to vector<1x256xf32>
          %reduce_or3A_206 = vector.broadcast %reduce_or3A_204 : f32 to vector<1x256xf32>
          %reduce_or3A_207 = arith.select %ne3A, %reduce_or3A_205, %reduce_or3A_206 : vector<1x256xi1>, vector<1x256xf32>
          %reduce_or3A_208 = vector.shape_cast %reduce_or3A_207 : vector<1x256xf32> to vector<1x1x256xf32>
          %reduce_or3A_209 = arith.constant dense<0xFF800000> : vector<1xf32>
          %reduce_or3A_210 = vector.multi_reduction <maximumf>, %reduce_or3A_208, %reduce_or3A_209 [1, 2] : vector<1x1x256xf32> to vector<1xf32>
          %reduce_or3A_211 = vector.shape_cast %reduce_or3A_210 : vector<1xf32> to vector<1x1x1xf32>
          %reduce_or3A_212 = vector.extract %reduce_or3A_211[0, 0, 0] : f32 from vector<1x1x1xf32>
          %reduce_or3A_213 = arith.constant 0.000000e+00 : f32
          %reduce_or3A_214 = arith.cmpf ogt, %reduce_or3A_212, %reduce_or3A_213 : f32
          scf.yield %select_n3A_203, %reduce_or3A_214 : vector<1x256xf32>, i1
        }
        %swap3A_182 = arith.constant 0 : index
        %swap3A_183 = arith.index_cast %mul3A_54 : i32 to index
        %swap3A_184 = vector.load %arg10[%swap3A_182, %swap3A_183] : memref<1x5120xf32, #tpu.memory_space<vmem>>, vector<1x256xf32>
        tpu.vector_store %arg10[%swap3A_182, %swap3A_183], %while3A_181#0 {strides = array<i32>} : memref<1x5120xf32, #tpu.memory_space<vmem>>, vector<1x256xf32>,
        %get3A_185 = arith.constant 0 : index
        %get3A_186 = memref.load %arg11[%get3A_185] : memref<2xf32, #tpu.memory_space<smem>>
        %reduce_sum3A_187 = vector.shape_cast %while3A_181#0 : vector<1x256xf32> to vector<1x1x256xf32>
        %reduce_sum3A_188 = arith.constant dense<0.000000e+00> : vector<1xf32>
        %reduce_sum3A_189 = vector.multi_reduction <add>, %reduce_sum3A_187, %reduce_sum3A_188 [1, 2] : vector<1x1x256xf32> to vector<1xf32>
        %reduce_sum3A_190 = vector.shape_cast %reduce_sum3A_189 : vector<1xf32> to vector<1x1x1xf32>
        %reduce_sum3A_191 = vector.extract %reduce_sum3A_190[0, 0, 0] : f32 from vector<1x1x1xf32>
        %add3A_192 = arith.addf %get3A_186, %reduce_sum3A_191 : f32
        %swap3A_193 = arith.constant 0 : index
        %swap3A_194 = memref.load %arg11[%swap3A_193] : memref<2xf32, #tpu.memory_space<smem>>
        memref.store %add3A_192, %arg11[%swap3A_193] : memref<2xf32, #tpu.memory_space<smem>>
      } else {
      }
    }
    %scan3A_22 = arith.constant 20 : i32
    %swap3A_23 = arith.constant 0.000000e+00 : f32
    %swap3A_24 = arith.constant 1 : index
    %swap3A_25 = memref.load %arg11[%swap3A_24] : memref<2xf32, #tpu.memory_space<smem>>
    memref.store %swap3A_23, %arg11[%swap3A_24] : memref<2xf32, #tpu.memory_space<smem>>
    %scan3A_26 = arith.constant 0 : i32
    %scan3A_27 = arith.constant 20 : i32
    %scan3A_28 = arith.addi %scan3A_26, %scan3A_27 : i32
    %scan3A_29 = arith.constant 1 : i32
    scf.for %scan3A_53 = %scan3A_26 to %scan3A_28 step %scan3A_29  : i32 {
      %mul3A = arith.constant 256 : i32
      %mul3A_54 = arith.muli %scan3A_53, %mul3A : i32
      %get3A_55 = arith.constant 0 : index
      %get3A_56 = arith.index_cast %mul3A_54 : i32 to index
      %get3A_57 = vector.load %arg9[%get3A_55, %get3A_56] : memref<1x5120xf32, #tpu.memory_space<vmem>>, vector<1x256xf32>
      %reduce_sum3A_58 = vector.shape_cast %get3A_57 : vector<1x256xf32> to vector<1x1x256xf32>
      %reduce_sum3A_59 = arith.constant dense<0.000000e+00> : vector<1xf32>
      %reduce_sum3A_60 = vector.multi_reduction <add>, %reduce_sum3A_58, %reduce_sum3A_59 [1, 2] : vector<1x1x256xf32> to vector<1xf32>
      %reduce_sum3A_61 = vector.shape_cast %reduce_sum3A_60 : vector<1xf32> to vector<1x1x1xf32>
      %reduce_sum3A_62 = vector.extract %reduce_sum3A_61[0, 0, 0] : f32 from vector<1x1x1xf32>
      %gt3A = arith.constant 0.000000e+00 : f32
      %gt3A_63 = arith.cmpf ogt, %reduce_sum3A_62, %gt3A : f32
      %convert_element_type3A = arith.extui %gt3A_63 : i1 to i32
      %cond3A = arith.constant 0 : i32
      %cond3A_64 = arith.cmpi ne, %convert_element_type3A, %cond3A : i32
      scf.if %cond3A_64 {
        %mul3A_65 = arith.constant 256 : i32
        %mul3A_66 = arith.muli %scan3A_53, %mul3A_65 : i32
        %get3A_67 = arith.constant 0 : index
        %get3A_68 = arith.index_cast %mul3A_66 : i32 to index
        %get3A_69 = arith.constant 4 : index
        %get3A_70 = vector.load %arg1[%get3A_67, %get3A_68, %get3A_69] : memref<1x5120x5xf32, #tpu.memory_space<vmem>>, vector<1x256x1xf32>
        %get3A_71 = vector.shape_cast %get3A_70 : vector<1x256x1xf32> to vector<256x1xf32>
        %broadcast_in_dim3A_72 = arith.constant 0.000000e+00 : f32
        %broadcast_in_dim3A_73 = vector.broadcast %broadcast_in_dim3A_72 : f32 to vector<256x1xf32>
        %scan3A_74 = arith.constant 0 : i32
        %scan3A_75 = arith.constant 20 : i32
        %scan3A_76 = arith.addi %scan3A_74, %scan3A_75 : i32
        %scan3A_77 = arith.constant 1 : i32
        %scan3A_78 = scf.for %scan3A_85 = %scan3A_74 to %scan3A_76 step %scan3A_77 iter_args(%scan3A_86 = %broadcast_in_dim3A_73) -> (vector<256x1xf32>)  : i32 {
          %mul3A_87 = arith.constant 256 : i32
          %mul3A_88 = arith.muli %scan3A_85, %mul3A_87 : i32
          %get3A_89 = arith.constant 0 : index
          %get3A_90 = arith.index_cast %mul3A_88 : i32 to index
          %get3A_91 = vector.load %arg10[%get3A_89, %get3A_90] : memref<1x5120xf32, #tpu.memory_space<vmem>>, vector<1x256xf32>
          %mul3A_92 = arith.constant 256 : i32
          %mul3A_93 = arith.muli %scan3A_85, %mul3A_92 : i32
          %get3A_94 = arith.constant 0 : index
          %get3A_95 = arith.constant 4 : index
          %get3A_96 = arith.index_cast %mul3A_93 : i32 to index
          %get3A_97 = vector.load %arg5[%get3A_94, %get3A_95, %get3A_96] : memref<1x5x5120xf32, #tpu.memory_space<vmem>>, vector<1x1x256xf32>
          %get3A_98 = vector.shape_cast %get3A_97 : vector<1x1x256xf32> to vector<1x256xf32>
          %mul3A_99 = arith.constant 256 : i32
          %mul3A_100 = arith.muli %scan3A_53, %mul3A_99 : i32
          %mul3A_101 = arith.constant 256 : i32
          %mul3A_102 = arith.muli %scan3A_85, %mul3A_101 : i32
          %get3A_103 = arith.constant 0 : index
          %get3A_104 = arith.index_cast %mul3A_100 : i32 to index
          %get3A_105 = arith.constant 0 : index
          %get3A_106 = vector.load %arg1[%get3A_103, %get3A_104, %get3A_105] : memref<1x5120x5xf32, #tpu.memory_space<vmem>>, vector<1x256x1xf32>
          %get3A_107 = vector.shape_cast %get3A_106 : vector<1x256x1xf32> to vector<256x1xf32>
          %add3A_108 = arith.constant 0.000000e+00 : f32
          %add3A_109 = vector.broadcast %add3A_108 : f32 to vector<256x1xf32>
          %add3A_110 = arith.addf %get3A_107, %add3A_109 : vector<256x1xf32>
          %get3A_111 = arith.constant 0 : index
          %get3A_112 = arith.index_cast %mul3A_100 : i32 to index
          %get3A_113 = arith.constant 1 : index
          %get3A_114 = vector.load %arg1[%get3A_111, %get3A_112, %get3A_113] : memref<1x5120x5xf32, #tpu.memory_space<vmem>>, vector<1x256x1xf32>
          %get3A_115 = vector.shape_cast %get3A_114 : vector<1x256x1xf32> to vector<256x1xf32>
          %add3A_116 = arith.constant 0.000000e+00 : f32
          %add3A_117 = vector.broadcast %add3A_116 : f32 to vector<256x1xf32>
          %add3A_118 = arith.addf %get3A_115, %add3A_117 : vector<256x1xf32>
          %get3A_119 = arith.constant 0 : index
          %get3A_120 = arith.index_cast %mul3A_100 : i32 to index
          %get3A_121 = arith.constant 2 : index
          %get3A_122 = vector.load %arg1[%get3A_119, %get3A_120, %get3A_121] : memref<1x5120x5xf32, #tpu.memory_space<vmem>>, vector<1x256x1xf32>
          %get3A_123 = vector.shape_cast %get3A_122 : vector<1x256x1xf32> to vector<256x1xf32>
          %add3A_124 = arith.constant 0.000000e+00 : f32
          %add3A_125 = vector.broadcast %add3A_124 : f32 to vector<256x1xf32>
          %add3A_126 = arith.addf %get3A_123, %add3A_125 : vector<256x1xf32>
          %get3A_127 = arith.constant 0 : index
          %get3A_128 = arith.index_cast %mul3A_100 : i32 to index
          %get3A_129 = arith.constant 3 : index
          %get3A_130 = vector.load %arg1[%get3A_127, %get3A_128, %get3A_129] : memref<1x5120x5xf32, #tpu.memory_space<vmem>>, vector<1x256x1xf32>
          %get3A_131 = vector.shape_cast %get3A_130 : vector<1x256x1xf32> to vector<256x1xf32>
          %add3A_132 = arith.constant 0.000000e+00 : f32
          %add3A_133 = vector.broadcast %add3A_132 : f32 to vector<256x1xf32>
          %add3A_134 = arith.addf %get3A_131, %add3A_133 : vector<256x1xf32>
          %get3A_135 = arith.constant 0 : index
          %get3A_136 = arith.constant 0 : index
          %get3A_137 = arith.index_cast %mul3A_102 : i32 to index
          %get3A_138 = vector.load %arg5[%get3A_135, %get3A_136, %get3A_137] : memref<1x5x5120xf32, #tpu.memory_space<vmem>>, vector<1x1x256xf32>
          %get3A_139 = vector.shape_cast %get3A_138 : vector<1x1x256xf32> to vector<1x256xf32>
          %add3A_140 = arith.constant 0.000000e+00 : f32
          %add3A_141 = vector.broadcast %add3A_140 : f32 to vector<1x256xf32>
          %add3A_142 = arith.addf %get3A_139, %add3A_141 : vector<1x256xf32>
          %get3A_143 = arith.constant 0 : index
          %get3A_144 = arith.constant 1 : index
          %get3A_145 = arith.index_cast %mul3A_102 : i32 to index
          %get3A_146 = vector.load %arg5[%get3A_143, %get3A_144, %get3A_145] : memref<1x5x5120xf32, #tpu.memory_space<vmem>>, vector<1x1x256xf32>
          %get3A_147 = vector.shape_cast %get3A_146 : vector<1x1x256xf32> to vector<1x256xf32>
          %add3A_148 = arith.constant 0.000000e+00 : f32
          %add3A_149 = vector.broadcast %add3A_148 : f32 to vector<1x256xf32>
          %add3A_150 = arith.addf %get3A_147, %add3A_149 : vector<1x256xf32>
          %get3A_151 = arith.constant 0 : index
          %get3A_152 = arith.constant 2 : index
          %get3A_153 = arith.index_cast %mul3A_102 : i32 to index
          %get3A_154 = vector.load %arg5[%get3A_151, %get3A_152, %get3A_153] : memref<1x5x5120xf32, #tpu.memory_space<vmem>>, vector<1x1x256xf32>
          %get3A_155 = vector.shape_cast %get3A_154 : vector<1x1x256xf32> to vector<1x256xf32>
          %add3A_156 = arith.constant 0.000000e+00 : f32
          %add3A_157 = vector.broadcast %add3A_156 : f32 to vector<1x256xf32>
          %add3A_158 = arith.addf %get3A_155, %add3A_157 : vector<1x256xf32>
          %get3A_159 = arith.constant 0 : index
          %get3A_160 = arith.constant 3 : index
          %get3A_161 = arith.index_cast %mul3A_102 : i32 to index
          %get3A_162 = vector.load %arg5[%get3A_159, %get3A_160, %get3A_161] : memref<1x5x5120xf32, #tpu.memory_space<vmem>>, vector<1x1x256xf32>
          %get3A_163 = vector.shape_cast %get3A_162 : vector<1x1x256xf32> to vector<1x256xf32>
          %add3A_164 = arith.constant 0.000000e+00 : f32
          %add3A_165 = vector.broadcast %add3A_164 : f32 to vector<1x256xf32>
          %add3A_166 = arith.addf %get3A_163, %add3A_165 : vector<1x256xf32>
          %min3A = vector.broadcast %add3A_126 : vector<256x1xf32> to vector<256x256xf32>
          %min3A_167 = vector.broadcast %add3A_158 : vector<1x256xf32> to vector<256x256xf32>
          %min3A_168 = arith.minimumf %min3A, %min3A_167 : vector<256x256xf32>
          %max3A = vector.broadcast %add3A_110 : vector<256x1xf32> to vector<256x256xf32>
          %max3A_169 = vector.broadcast %add3A_142 : vector<1x256xf32> to vector<256x256xf32>
          %max3A_170 = arith.maximumf %max3A, %max3A_169 : vector<256x256xf32>
          %sub3A = arith.subf %min3A_168, %max3A_170 : vector<256x256xf32>
          %max3A_171 = arith.constant 0.000000e+00 : f32
          %max3A_172 = vector.broadcast %max3A_171 : f32 to vector<256x256xf32>
          %max3A_173 = arith.maximumf %sub3A, %max3A_172 : vector<256x256xf32>
          %min3A_174 = vector.broadcast %add3A_134 : vector<256x1xf32> to vector<256x256xf32>
          %min3A_175 = vector.broadcast %add3A_166 : vector<1x256xf32> to vector<256x256xf32>
          %min3A_176 = arith.minimumf %min3A_174, %min3A_175 : vector<256x256xf32>
          %max3A_177 = vector.broadcast %add3A_118 : vector<256x1xf32> to vector<256x256xf32>
          %max3A_178 = vector.broadcast %add3A_150 : vector<1x256xf32> to vector<256x256xf32>
          %max3A_179 = arith.maximumf %max3A_177, %max3A_178 : vector<256x256xf32>
          %sub3A_180 = arith.subf %min3A_176, %max3A_179 : vector<256x256xf32>
          %max3A_181 = arith.constant 0.000000e+00 : f32
          %max3A_182 = vector.broadcast %max3A_181 : f32 to vector<256x256xf32>
          %max3A_183 = arith.maximumf %sub3A_180, %max3A_182 : vector<256x256xf32>
          %mul3A_184 = arith.mulf %max3A_173, %max3A_183 : vector<256x256xf32>
          %sub3A_185 = arith.subf %add3A_126, %add3A_110 : vector<256x1xf32>
          %sub3A_186 = arith.subf %add3A_134, %add3A_118 : vector<256x1xf32>
          %mul3A_187 = arith.mulf %sub3A_185, %sub3A_186 : vector<256x1xf32>
          %sub3A_188 = arith.subf %add3A_158, %add3A_142 : vector<1x256xf32>
          %sub3A_189 = arith.subf %add3A_166, %add3A_150 : vector<1x256xf32>
          %mul3A_190 = arith.mulf %sub3A_188, %sub3A_189 : vector<1x256xf32>
          %add3A_191 = vector.broadcast %mul3A_187 : vector<256x1xf32> to vector<256x256xf32>
          %add3A_192 = vector.broadcast %mul3A_190 : vector<1x256xf32> to vector<256x256xf32>
          %add3A_193 = arith.addf %add3A_191, %add3A_192 : vector<256x256xf32>
          %sub3A_194 = arith.subf %add3A_193, %mul3A_184 : vector<256x256xf32>
          %div3A = arith.divf %mul3A_184, %sub3A_194 : vector<256x256xf32>
          %gt3A_195 = arith.constant 0.000000e+00 : f32
          %gt3A_196 = vector.broadcast %gt3A_195 : f32 to vector<1x256xf32>
          %gt3A_197 = arith.cmpf ogt, %get3A_91, %gt3A_196 : vector<1x256xf32>
          %eq3A = vector.broadcast %get3A_71 : vector<256x1xf32> to vector<256x256xf32>
          %eq3A_198 = vector.broadcast %get3A_98 : vector<1x256xf32> to vector<256x256xf32>
          %eq3A_199 = arith.cmpf oeq, %eq3A, %eq3A_198 : vector<256x256xf32>
          %and3A = vector.broadcast %gt3A_197 : vector<1x256xi1> to vector<256x256xi1>
          %and3A_200 = arith.andi %and3A, %eq3A_199 : vector<256x256xi1>
          %jit3A = arith.constant 0.000000e+00 : f32
          %broadcast_in_dim3A_201 = vector.broadcast %jit3A : f32 to vector<256x256xf32>
          %select_n3A = arith.select %and3A_200, %div3A, %broadcast_in_dim3A_201 : vector<256x256xi1>, vector<256x256xf32>
          %reduce_max3A = arith.constant dense<0xFF800000> : vector<256xf32>
          %reduce_max3A_202 = vector.multi_reduction <maximumf>, %select_n3A, %reduce_max3A [1] : vector<256x256xf32> to vector<256xf32>
          %broadcast_in_dim3A_203 = vector.shape_cast %reduce_max3A_202 : vector<256xf32> to vector<256x1xf32>
          %max3A_204 = arith.maximumf %scan3A_86, %broadcast_in_dim3A_203 : vector<256x1xf32>
          scf.yield %max3A_204 : vector<256x1xf32>
        }
        %scan3A_79 = arith.constant 20 : i32
        %get3A_80 = arith.constant 1 : index
        %get3A_81 = memref.load %arg11[%get3A_80] : memref<2xf32, #tpu.memory_space<smem>>
        %dot_general3A = arith.constant dense<0.000000e+00> : vector<1x1xf32>
        %dot_general3A_82 = tpu.matmul %get3A_57, %scan3A_78, %dot_general3A {dimension_numbers = #tpu.dot_dimension_numbers<[1], [0], [0], [1], [0, 0, 1, 1], [], []>, transpose_lhs_hint = false} : vector<1x256xf32>, vector<256x1xf32>, vector<1x1xf32> -> vector<1x1xf32>
        %squeeze3A = vector.extract %dot_general3A_82[0, 0] : f32 from vector<1x1xf32>
        %add3A = arith.addf %get3A_81, %squeeze3A : f32
        %swap3A_83 = arith.constant 1 : index
        %swap3A_84 = memref.load %arg11[%swap3A_83] : memref<2xf32, #tpu.memory_space<smem>>
        memref.store %add3A, %arg11[%swap3A_83] : memref<2xf32, #tpu.memory_space<smem>>
      } else {
      }
    }
    %scan3A_30 = arith.constant 20 : i32
    %get3A = arith.constant 0 : index
    %get3A_31 = arith.constant 0 : index
    %get3A_32 = vector.load %arg9[%get3A, %get3A_31] : memref<1x5120xf32, #tpu.memory_space<vmem>>, vector<1x5120xf32>
    %reduce_sum3A = vector.shape_cast %get3A_32 : vector<1x5120xf32> to vector<1x1x5120xf32>
    %reduce_sum3A_33 = arith.constant dense<0.000000e+00> : vector<1xf32>
    %reduce_sum3A_34 = vector.multi_reduction <add>, %reduce_sum3A, %reduce_sum3A_33 [1, 2] : vector<1x1x5120xf32> to vector<1xf32>
    %reduce_sum3A_35 = vector.shape_cast %reduce_sum3A_34 : vector<1xf32> to vector<1x1x1xf32>
    %reduce_sum3A_36 = vector.extract %reduce_sum3A_35[0, 0, 0] : f32 from vector<1x1x1xf32>
    %get3A_37 = arith.constant 1 : index
    %get3A_38 = memref.load %arg11[%get3A_37] : memref<2xf32, #tpu.memory_space<smem>>
    %broadcast_in_dim3A_39 = vector.broadcast %get3A_38 : f32 to vector<1x128xf32>
    %swap3A_40 = arith.constant 0 : index
    %swap3A_41 = arith.constant 0 : index
    %swap3A_42 = arith.constant 0 : index
    %swap3A_43 = vector.load %arg7[%swap3A_40, %swap3A_41, %swap3A_42] : memref<1x1x128xf32, #tpu.memory_space<vmem>>, vector<1x1x128xf32>
    %swap3A_44 = vector.shape_cast %swap3A_43 : vector<1x1x128xf32> to vector<1x128xf32>
    %swap3A_45 = vector.shape_cast %broadcast_in_dim3A_39 : vector<1x128xf32> to vector<1x1x128xf32>
    tpu.vector_store %arg7[%swap3A_40, %swap3A_41, %swap3A_42], %swap3A_45 {strides = array<i32>} : memref<1x1x128xf32, #tpu.memory_space<vmem>>, vector<1x1x128xf32>,
    %broadcast_in_dim3A_46 = vector.broadcast %reduce_sum3A_36 : f32 to vector<1x128xf32>
    %swap3A_47 = arith.constant 0 : index
    %swap3A_48 = arith.constant 0 : index
    %swap3A_49 = arith.constant 0 : index
    %swap3A_50 = vector.load %arg8[%swap3A_47, %swap3A_48, %swap3A_49] : memref<1x1x128xf32, #tpu.memory_space<vmem>>, vector<1x1x128xf32>
    %swap3A_51 = vector.shape_cast %swap3A_50 : vector<1x1x128xf32> to vector<1x128xf32>
    %swap3A_52 = vector.shape_cast %broadcast_in_dim3A_46 : vector<1x128xf32> to vector<1x1x128xf32>
    tpu.vector_store %arg8[%swap3A_47, %swap3A_48, %swap3A_49], %swap3A_52 {strides = array<i32>} : memref<1x1x128xf32, #tpu.memory_space<vmem>>, vector<1x1x128xf32>,
    return
  }
  func.func @transform_0(%arg0: i32) -> (i32, i32, i32) {
    %c0_i32 = arith.constant 0 : i32
    %c0_i32_0 = arith.constant 0 : i32
    %c0_i32_1 = arith.constant 0 : i32
    return %arg0, %c0_i32, %c0_i32_0 : i32, i32, i32
  }
  func.func @transform_1(%arg0: i32) -> (i32, i32, i32) {
    %c0_i32 = arith.constant 0 : i32
    %c0_i32_0 = arith.constant 0 : i32
    %c0_i32_1 = arith.constant 0 : i32
    return %arg0, %c0_i32, %c0_i32_0 : i32, i32, i32
  }
  func.func @transform_2(%arg0: i32) -> (i32, i32, i32) {
    %c0_i32 = arith.constant 0 : i32
    %c0_i32_0 = arith.constant 0 : i32
    %c0_i32_1 = arith.constant 0 : i32
    return %arg0, %c0_i32, %c0_i32_0 : i32, i32, i32
  }
  func.func @transform_3(%arg0: i32) -> (i32, i32, i32) {
    %c0_i32 = arith.constant 0 : i32
    %c0_i32_0 = arith.constant 0 : i32
    %c0_i32_1 = arith.constant 0 : i32
    return %arg0, %c0_i32, %c0_i32_0 : i32, i32, i32
  }
  func.func @transform_4(%arg0: i32) -> (i32, i32, i32) {
    %c0_i32 = arith.constant 0 : i32
    %c0_i32_0 = arith.constant 0 : i32
    %c0_i32_1 = arith.constant 0 : i32
    return %arg0, %c0_i32, %c0_i32_0 : i32, i32, i32
  }
  func.func @transform_5(%arg0: i32) -> (i32, i32, i32) {
    %c0_i32 = arith.constant 0 : i32
    %c0_i32_0 = arith.constant 0 : i32
    %c0_i32_1 = arith.constant 0 : i32
    return %arg0, %c0_i32, %c0_i32_0 : i32, i32, i32
  }
  func.func @transform_6(%arg0: i32) -> (i32, i32, i32) {
    %c0_i32 = arith.constant 0 : i32
    %c0_i32_0 = arith.constant 0 : i32
    %c0_i32_1 = arith.constant 0 : i32
    return %arg0, %c0_i32, %c0_i32_0 : i32, i32, i32
  }
  func.func @transform_7(%arg0: i32) -> (i32, i32, i32) {
    %c0_i32 = arith.constant 0 : i32
    %c0_i32_0 = arith.constant 0 : i32
    %c0_i32_1 = arith.constant 0 : i32
    return %arg0, %c0_i32, %c0_i32_0 : i32, i32, i32
  }
}

</mosaic_0001>

<sc_bundles>
// kernel: gather_offload_async_start.1
scs
__scs_entry_jumppad:
0x0: {  	(pc) =	sbr.rel $0x88, $3  }
0x1: {  	(tag) =	ssettag $0x0;
	lr =	simm.s32 $0x1  }
0x2: {  	[smem:$0x3F9F] =	sst lr;
	_ =	strace $0xD0000000  }
0x3: {  	_ = 	snop  }
0x4: {  	_ = 	snop  }
0x5: {  	_ = 	snop  }
0x6: {  	_ = 	snop  }
0x7: {  	_ = 	snop  }
__scs_overlays_trampoline_lowered:
0x8: {  	[smem:$0x3FAE] =	sst s0  }
0x9: {  	[smem:$0x3FAF] =	sst s1  }
0xa: {  	[smem:$0x3FB0] =	sst s2  }
0xb: {  	[smem:$0x3FB1] =	sst s3  }
0xc: {  	[smem:$0x3FB2] =	sst s4  }
0xd: {  	[smem:$0x3FB3] =	sst s5  }
0xe: {  	[smem:$0x3FB4] =	sst s6  }
0xf: {  	[smem:$0x3FB5] =	sst s7  }
0x10: {  	[smem:$0x3FB6] =	sst s8  }
0x11: {  	[smem:$0x3FB7] =	sst s9;
	s0 =	simm.s32 @!p0 $0x0  }
0x12: {  	s1 =	sld [smem:$0x3F9D];
	s0 =	simm.s32 @p0 $0x1  }
0x13: {  	[smem:$0x3FB8] =	sst s0;
	s0 =	simm.s32 @!p1 $0x0  }
0x14: {  	s2 =	sld [smem:$0x3F9C];
	s0 =	simm.s32 @p1 $0x1  }
0x15: {  	[smem:$0x3FB9] =	sst s0;
	s0 =	simm.s32 @!p2 $0x0  }
0x16: {  	s3 =	sld [smem:$0x3FDB];
	s0 =	simm.s32 @p2 $0x1  }
0x17: {  	s4 =	simm.s32 $0x1BF5;
	[smem:$0x3FBB] =	sst s0  }
0x18: {  	s0 =	sld [smem:$0x3F9E];
	_ =	swait.ge [sflag:s4], $0x0  }
0x19: {  	s7 =	sld [smem:$0x3F9F]  }
0x1a: {  	s8 =	sadd.s32 $0xFFFFE003, lr  }
0x1b: {  	s9 =	sadd.s32 $0xFFFFFEF7, lr;
	s5 =	simm.s32 $0xFFFFFFFF;
	p2 =	slt.u32 s8, $0xFFFFF086  }
0x1c: {  	p1 =	slt.u32 s9, $0xF7A;
	s5 =	simm.s32 @!p2 $0x0  }
0x1d: {  	s5 =	simm.s32 @p1 $0x1;
	p0 =	seq.s32 s7, s2  }
0x1e: {  	s7 =	smul.u32 @!p0 $0xF7A, s2;
	p2 =	seq.s32 @!p0 s5, $0x0  }
0x1f: {  	s9 =	smul.u32 $0xF7A, s1;
	s8 =	simm.s32 @!p0 $0x1BF5;
	p2 =	por !p2, p0  }
0x20: {  	[sflag:s8] =	ssyncset.s32 @!p0 $0xFFFFF086;
	s6 =	sadd.s32 @!p0 s3, s7;
	s7 =	simm.s32 @!p0 $0x108  }
0x21: {  	s3 =	sadd.s32 s3, s9;
	s6 =	sadd.s32 @!p0 $0x88, s6;
	s7 =	simm.s32 @p2 $0x1082  }
0x22: {  	[simem:s7], [sflag:s8] =	dma.local @!p0 [hbm:s6], $0xF7A  }
0x23: {  	s9 =	sor.u32 $0xD0000000, s2;
	s6 =	simm.s32 $0x108;
	_ =	swait.ge @!p0 [sflag:s8], $0x0  }
0x24: {  	s3 =	sadd.s32 $0x88, s3;
	s6 =	simm.s32 @!p1 $0x1082;
	[sflag:s4] =	ssyncset.s32 $0xFFFFF086  }
0x25: {  	[simem:s6], [sflag:s4] =	dma.local [hbm:s3], $0xF7A  }
0x26: {  	[smem:$0x3F9F] =	sst s1;
	(tag) =	ssettag s2;
	_ =	strace s9  }
0x27: {  	s1 =	sld [smem:$0x3FAF]  }
0x28: {  	s2 =	sld [smem:$0x3FB0]  }
0x29: {  	s4 =	sld [smem:$0x3FB2]  }
0x2a: {  	p0 =	seq.s32 s5, $0x0;
	s5 =	sld [smem:$0x3FB3]  }
0x2b: {  	s6 =	sld [smem:$0x3FB4]  }
0x2c: {  	s7 =	sld [smem:$0x3FB5]  }
0x2d: {  	s3 =	simm.s32 $0x108;
	s8 =	sld [smem:$0x3FB6]  }
0x2e: {  	s3 =	simm.s32 @!p0 $0x1082;
	s9 =	sld [smem:$0x3FB7]  }
0x2f: {  	lr =	sadd.s32 s0, s3;
	s0 =	sld [smem:$0x3FAE]  }
0x30: {  	s3 =	sld [smem:$0x3FB1]  }
0x31: {  	[smem:$0x3FBA] =	sst s10  }
0x32: {  	s10 =	sld [smem:$0x3FB8];
	_ =	sdelay $0x3  }
0x33: {  	p0 =	seq.s32 s10, $0x1;
	s10 =	sld [smem:$0x3FBA];
	_ =	sdelay $0x3  }
0x34: {  	[smem:$0x3FBA] =	sst s10  }
0x35: {  	s10 =	sld [smem:$0x3FB9];
	_ =	sdelay $0x3  }
0x36: {  	p1 =	seq.s32 s10, $0x1;
	s10 =	sld [smem:$0x3FBA];
	_ =	sdelay $0x3  }
0x37: {  	[smem:$0x3FBA] =	sst s10  }
0x38: {  	s10 =	sld [smem:$0x3FBB]  }
0x39: {  	_ = 	snop;
	(pc) =	sbr.ind lr, $3  }
0x3a: {  	_ = 	snop  }
0x3b: {  	_ = 	snop  }
0x3c: {  	p2 =	seq.s32 s10, $0x1;
	s10 =	sld [smem:$0x3FBA]  }
0x3d: {  	_ =	shalt  }
0x3e: {  	_ =	shalt  }
0x3f: {  	_ =	shalt  }
0x40: {  	_ =	shalt  }
0x41: {  	_ =	shalt  }
0x42: {  	_ =	shalt  }
0x43: {  	_ =	shalt  }
0x44: {  	_ =	shalt  }
0x45: {  	_ =	shalt  }
0x46: {  	_ =	shalt  }
0x47: {  	_ =	shalt  }
0x48: {  	_ =	shalt  }
0x49: {  	_ =	shalt  }
0x4a: {  	_ =	shalt  }
0x4b: {  	_ =	shalt  }
0x4c: {  	_ =	shalt  }
0x4d: {  	_ =	shalt  }
0x4e: {  	_ =	shalt  }
0x4f: {  	_ =	shalt  }
0x50: {  	_ =	shalt  }
0x51: {  	_ =	shalt  }
0x52: {  	_ =	shalt  }
0x53: {  	_ =	shalt  }
0x54: {  	_ =	shalt  }
0x55: {  	_ =	shalt  }
0x56: {  	_ =	shalt  }
0x57: {  	_ =	shalt  }
0x58: {  	_ =	shalt  }
0x59: {  	_ =	shalt  }
0x5a: {  	_ =	shalt  }
0x5b: {  	_ =	shalt  }
0x5c: {  	_ =	shalt  }
0x5d: {  	_ =	shalt  }
0x5e: {  	_ =	shalt  }
0x5f: {  	_ =	shalt  }
0x60: {  	_ =	shalt  }
0x61: {  	_ =	shalt  }
0x62: {  	_ =	shalt  }
0x63: {  	_ =	shalt  }
0x64: {  	_ =	shalt  }
0x65: {  	_ =	shalt  }
0x66: {  	_ =	shalt  }
0x67: {  	_ =	shalt  }
0x68: {  	_ =	shalt  }
0x69: {  	_ =	shalt  }
0x6a: {  	_ =	shalt  }
0x6b: {  	_ =	shalt  }
0x6c: {  	_ =	shalt  }
0x6d: {  	_ =	shalt  }
0x6e: {  	_ =	shalt  }
0x6f: {  	_ =	shalt  }
0x70: {  	_ =	shalt  }
0x71: {  	_ =	shalt  }
0x72: {  	_ =	shalt  }
0x73: {  	_ =	shalt  }
0x74: {  	_ =	shalt  }
0x75: {  	_ =	shalt  }
0x76: {  	_ =	shalt  }
0x77: {  	_ =	shalt  }
0x78: {  	_ =	shalt  }
0x79: {  	_ =	shalt  }
0x7a: {  	_ =	shalt  }
0x7b: {  	_ =	shalt  }
0x7c: {  	_ =	shalt  }
0x7d: {  	_ =	shalt  }
0x7e: {  	_ =	shalt  }
0x7f: {  	_ =	shalt  }
0x80: {  	_ =	shalt  }
0x81: {  	_ =	shalt  }
0x82: {  	_ =	shalt  }
0x83: {  	_ =	shalt  }
0x84: {  	_ =	shalt  }
0x85: {  	_ =	shalt  }
0x86: {  	_ =	shalt  }
0x87: {  	_ =	shalt  }
.Lfunc_end0:
.L_simem_size_0:
called_computation.1_lowered:
.L_overlay_start_0:
0x88: {  	s2 =	sld [smem:$0x3FD9]  }
0x89: {  	s3 =	sld [smem:$0x3FFE];
	_ =	sdelay $0x1  }
0x8a: {  	s1 =	srdreg.scid  }
0x8b: {  	s0 =	sand.u32 $0x1, s1  }
0x8c: {  	s17 =	sshll.u32 s0, $0xA;
	s2 =	sadd.s32 s3, s2  }
0x8d: {  	s2 =	sadd.s32 s2, s17  }
0x8e: {  	[smem:$0x3FC6] =	sst s2  }
0x8f: {  	_ = 	snop  }
0x90: {  	(tm) =	ssettm $0x1  }
0x91: {  	s18 =	sld [smem:$0x3FFB];
	_ =	sdelay $0x3  }
0x92: {  	_ =	strace s18  }
0x93: {  	s2 =	sld [smem:$0x3FFC];
	_ =	sdelay $0x3  }
0x94: {  	_ =	strace s2  }
0x95: {  	s2 =	sld [smem:$0x3FFD];
	_ =	sdelay $0x3  }
0x96: {  	_ =	strace s2  }
0x97: {  	_ =	strace $0x8FFFFFFF  }
0x98: {  	s19 =	sld [smem:$0x3FDB];
	_ =	sdelay $0x1  }
0x99: {  	s20 =	simm.s32 $_scs_section_size  }
0x9a: {  	s4 =	simm.s32 $_size__tile_overlayer_lowered;
	s5 =	simm.s32 $_tile_overlayer_lowered  }
0x9b: {  	s6 =	simm.s32 $0x1BFF;
	s21 =	sshll.u32 s5, $0x1;
	s3 =	sadd.s32 s20, s19  }
0x9c: {  	s22 =	simm.s32 $0x0;
	s4 =	sshll.u32 s4, $0x1;
	s5 =	sadd.s32 s21, s3  }
0x9d: {  	[timem:s22], [sflag:s6] =	dma.local [hbm:s5], s4  }
0x9e: {  	_ =	swait.ge [sflag:s6], s4  }
0x9f: {  	s4 =	ssub.s32 $0x0, s4;
	[sflag:s6] =	ssyncset.done $0x0  }
0xa0: {  	[sflag:s6] =	ssyncadd.s32 s4;
	_ =	sdelay $0x1  }
0xa1: {  	s23 =	simm.s32 $0x1B8B  }
0xa2: {  	_ =	swait.ge [sflag:s23], $0x1  }
0xa3: {  	[sflag:s23] =	ssyncset.done $0x0  }
0xa4: {  	[sflag:s23] =	ssyncadd.s32 $0xFFFFFFFF  }
0xa5: {  	s4 =	sld [smem:$0x0]  }
0xa6: {  	s5 =	sand.u32 $0xFFFFFFFE, s1  }
0xa7: {  	p0 =	sne.s32 s1, s5  }
0xa8: {  	s5 =	sshll.u32 @p0 s5, $0xE  }
0xa9: {  	s5 =	sadd.s32 @p0 $0x11B8D, s5;
	s6 =	sshll.u32 @p0 s4, $0x11  }
0xaa: {  	s5 =	sor.u32 @p0 s6, s5  }
0xab: {  	[sflag:s5] =	ssyncadd.remote.s32 @p0 $0x1;
	_ =	sdelay $0x1  }
0xac: {  	s5 =	simm.s32 @p0 $0x1B8D  }
0xad: {  	_ =	swait.eq @p0 [sflag:s5], $0x1  }
0xae: {  	[sflag:s5] =	ssyncadd.s32 @p0 $0xFFFFFFFF  }
0xaf: {  	s6 =	sshll.u32 @!p0 s1, $0xE  }
0xb0: {  	s6 =	sor.u32 @!p0 $0x4000, s6;
	s5 =	simm.s32 @!p0 $0x1B8D  }
0xb1: {  	s4 =	sshll.u32 @!p0 s4, $0x11;
	s6 =	sadd.s32 @!p0 $0x11B8D, s6;
	_ =	swait.eq @!p0 [sflag:s5], $0x1  }
0xb2: {  	s4 =	sor.u32 @!p0 s4, s6;
	[sflag:s5] =	ssyncadd.s32 @!p0 $0xFFFFFFFF  }
0xb3: {  	s25 =	simm.s32 $0x1B8E;
	s24 =	sld [smem:$0x3FFE];
	[sflag:s4] =	ssyncadd.remote.s32 @!p0 $0x1  }
0xb4: {  	s26 =	simm.s32 $execute0_lowered;
	[smem:$0x3FD2] =	sst s25  }
0xb5: {  	s5 =	sshll.u32 s26, $0x1;
	_ =	strace $0x80000049;
	[dreg:$0x1] =	wrdreg $0xFFFFFFFF  }
0xb6: {  	s28 =	simm.s32 $_size_execute0_lowered;
	s3 =	sadd.s32 s3, s5;
	[dreg:$0x0] =	wrdreg $0x0  }
0xb7: {  	s5 =	sshll.u32 s28, $0x1;
	[dreg:$0x2] =	wrdreg s3  }
0xb8: {  	[dreg:$0x3] =	wrdreg s5  }
0xb9: {  	[dreg:$0x4] =	wrdreg $0xC0  }
0xba: {  	_ =	task [dreg:s22], $0x5FFFF  }
0xbb: {  	[dreg:$0x1] =	wrdreg $0xFFFFFFFF  }
0xbc: {  	[dreg:$0x0] =	wrdreg $0x60  }
0xbd: {  	[dreg:$0x2] =	wrdreg s24  }
0xbe: {  	[dreg:$0x3] =	wrdreg $0x9  }
0xbf: {  	_ =	task.clear_ibuf [dreg:s22], $0x4FFFF;
	_ =	strace $0x90000049  }
0xc0: {  	s29 =	simm.s32 $0x9;
	_ =	strace $0x8000004B  }
0xc1: {  	_ =	swait.ge [sflag:s29], $0x1  }
0xc2: {  	[sflag:s29] =	ssyncadd.s32 $0xFFFFFFFF  }
0xc3: {  	_ =	strace $0x9000004B  }
0xc4: {  	_ =	sfence  }
0xc5: {  	s30 =	sld [smem:$0x0];
	_ =	sdelay $0x2  }
0xc6: {  	s31 =	sshll.u32 s1, $0xD;
	s1 =	sshrl.u32 s1, $0x2  }
0xc7: {  	s4 =	sand.u32 $0x4000, s31;
	s1 =	sadd.s32 s1, s30  }
0xc8: {  	s0 =	sor.u32 s4, s0;
	s1 =	sshll.u32 s1, $0x11  }
0xc9: {  	s0 =	sor.u32 s1, s0  }
0xca: {  	s0 =	sadd.s32 $0x8F2B, s0  }
0xcb: {  	[sflag:s0] =	ssyncadd.remote.s32 $0x1  }
0xcc: {  	_ =	sfence.sel $0xFFFF  }
0xcd: {  	[dreg:$0x0] =	wrdreg $0xFFFFFFFF;
	(pc) =	sbr.abs _section_cstart, $3  }
0xce: {  	[dreg:$0x1] =	wrdreg $0xFFFFFFFF  }
0xcf: {  	_ =	task.clear_ibuf [dreg:s22], $0x2FFFF;
	_ =	strace $0x9FFFFFFF  }
0xd0: {  	(tm) =	ssettm $0x7FFFFFFF  }
0xd1: {  	_ =	shalt  }
tec
execute0_lowered:
.L_overlay_start_1:
0x0: {  	(tag) =	ssettag $0x1  }
0x1: {  	s0 =	srdreg.scid;
	s5 =	rddreg [dreg:$0x0]  }
0x2: {  	s1 =	stileid.u32;
	s6 =	simm.s32 $0x1;
	s9 =	simm.s32 $0x1  }
0x3: {  	s10 =	simm.s32 $0x3;
	s13 =	simm.s32 $0x0;
	s2 =	sshll.u32 s0, $0x9  }
0x4: {  	s12 =	simm.s32 $0x0;
	s3 =	sshll.u32 s1, $0xA;
	s2 =	sand.u32 $0x200, s2  }
0x5: {  	s0 =	rddreg [dreg:$0x1];
	_ =	strace $0x8000004A;
	s2 =	sor.u32 s3, s2  }
0x6: {  	s4 =	sadd.s32 $0x3200, s5;
	[sflag:s6] =	ssyncpa.u1 $0x0;
	s8 =	ssub.s32 $0x5000, s2  }
.Ltmp0:
0x7: {  	s3 =	sadd.s32 $0x1E00, s5;
	s7 =	sand.u32 $0x3E00, s8;
	(pc) =	sbr.rel .LBB2_1-.Ltmp0, $4  }
0x8: {  	s5 =	sadd.s32 $0xA4E00, s5;
	s11 =	smov.u32 s2;
	p0 =	sne.s32 s7, $0x0  }
0x9: {  	s8 =	sshrl.u32 s8, $0xE;
	s7 =	simm.s32 $0x2;
	s9 =	simm.s32 @!p0 $0x0  }
0xa: {  	[sflag:s7] =	ssyncpa.u1 $0x0;
	p0 =	por $0x0, $0x0;
	s8 =	sadd.s32 s9, s8  }
0xb: {  	vm0 =	vmmov $0xffff;
	[sflag:s10] =	ssyncpa.u1 $0x0;
	s10 =	simm.s32 $0x0;
	s9 =	sadd.s32 $0x1, s8  }
.LBB2_4:
0xc: {  	vm1 =	veq.s32 v4, $0x80000000;
	v56 =	vand.u32 $0x3, v4;
	v6 =	vand.u32 $0x1FFF, v6  }
0xd: {  	v2 =	vor.u32 v2, v5;
	v59 =	vshrl.u32 v1, $0x2;
	v60 =	vand.u32 $0x3, v1  }
0xe: {  	v4 =	vsel vm1, $0xFFFFFFFF, v56;
	v6 =	vsel vm1, $0xFFFFFFFF, v6;
	v2 =	vor.u32 v3, v2  }
0xf: {  	vm1 =	veq.s32 v1, $0x80000000;
	v5 =	vand.u32 $0x1FFF, v59;
	v7 =	vshrl.u32 v4, $0x2  }
0x10: {  	v57 =	vshll.u32 v6, $0x2;
	v4 =	vshll.u32 v4, $0x7;
	v1 =	vsel vm1, $0xFFFFFFFF, v60  }
0x11: {  	v5 =	vsel vm1, $0xFFFFFFFF, v5;
	v6 =	vand.u32 $0x7F, v6;
	v7 =	vmul.u32 $0x5000, v7  }
0x12: {  	v58 =	vand.u32 $0xFFFFFE00, v57;
	v4 =	vand.u32 $0x180, v4;
	v61 =	vshrl.u32 v1, $0x2  }
0x13: {  	v62 =	vshll.u32 v5, $0x2;
	v3 =	vadd.s32 v7, v58;
	v7 =	vmul.u32 $0x5000, v61  }
0x14: {  	v1 =	vshll.u32 v1, $0x7;
	v3 =	vor.u32 v4, v3;
	v4 =	vand.u32 $0xFFFFFE00, v62  }
0x15: {  	v1 =	vand.u32 $0x180, v1;
	v3 =	vor.u32 v6, v3;
	v4 =	vadd.s32 v7, v4  }
0x16: {  	[tilespmem:s16], [sflag:$0x1] =	stream.indirect_vreg.gather [hbm4b:s3+s10], $0x1, v0, vm0, $0x4038;
	v63 =	vand.u32 $0x7F, v5;
	v1 =	vor.u32 v1, v4;
	[tilespmem:$0x800] =	vst v63  }
0x17: {  	s15 =	sadd.s32 $0x10, s15;
	(ifvalue) =	ssetifvalue $0x7FFFFFFF;
	v0 =	vor.u32 v63, v1  }
0x18: {  	[tilespmem:s15], [sflag:$0x1] =	stream.indirect_vreg.gather [hbm4b:s3+s10], $0x1, v2, vm0, $0x4038;
	[tilespmem:$0x800] =	vst v63  }
0x19: {  	s15 =	sadd.s32 $0x10, s15;
	(ifvalue) =	ssetifvalue $0x7FFFFFFF  }
0x1a: {  	[tilespmem:s15], [sflag:$0x1] =	stream.indirect_vreg.gather [hbm4b:s3+s10], $0x1, v3, vm0, $0x4038;
	[tilespmem:$0x800] =	vst v63  }
0x1b: {  	s15 =	sadd.s32 $0x10, s15;
	(ifvalue) =	ssetifvalue $0x7FFFFFFF  }
0x1c: {  	[tilespmem:s15], [sflag:$0x1] =	stream.indirect_vreg.gather [hbm4b:s3+s10], $0x1, v0, vm0, $0x4038;
	[tilespmem:$0x800] =	vst v63  }
0x1d: {  	_ =	swait.ge [sflag:s6], $0x200  }
0x1e: {  	s30 =	sshrl.u32 s13, $0x3;
	[sflag:s6] =	ssyncset.done $0x0  }
0x1f: {  	s31 =	sand.u32 $0x7, s13;
	s15 =	sadd.s32 s5, s30;
	[sflag:s6] =	ssyncadd.s32 $0xFFFFFE00  }
0x20: {  	[hbm4b:s15+s31] =	stream.linear.scatter [tilespmem:s14], [sflag:$0x3], $0x200, $0x38;
	[tilespmem:$0x800] =	vst v63  }
.LBB2_5:
0x21: {  	s15 =	sadd.s32 $0x4000, s11  }
0x22: {  	p2 =	sgt.s32 s15, $0x4FFF  }
0x23: {  	s15 =	smov.u32 @p2 s2;
	p2 =	sne.s32 s12, s9  }
.Ltmp1:
0x24: {  	p1 =	slt.u32 s12, $0x2;
	(pc) =	sbr.rel @!p2 .LBB2_6-.Ltmp1, $4  }
0x25: {  	s14 =	simm.s32 @!p1 $0x3  }
0x26: {  	s16 =	sadd.s32 $0x1, s12;
	_ =	swait.ge @!p1 [sflag:s14], $0x200  }
0x27: {  	s13 =	smov.u32 s11;
	p0 =	por !p0, !p0;
	[sflag:s14] =	ssyncset.done @!p1 $0x0  }
0x28: {  	s12 =	smov.u32 s16;
	s11 =	smov.u32 s15;
	[sflag:s14] =	ssyncadd.s32 @!p1 $0xFFFFFE00  }
.LBB2_1:
0x29: {  	p1 =	sge.u32 s12, s8  }
0x2a: {  	s14 =	sxor.u32 @!p1 $0xFFFFFFFF, s12  }
0x2b: {  	s31 =	sadd.s32 $0xFFFFFFFF, s12;
	s15 =	sshrl.u32 @!p1 s11, $0x3;
	s14 =	sshll.u32 @!p1 s14, $0x9  }
0x2c: {  	s16 =	sand.u32 @!p1 $0x7, s11;
	s15 =	sadd.s32 @!p1 s4, s15;
	s14 =	sand.u32 @!p1 $0x200, s14  }
0x2d: {  	[tilespmem:s14], [sflag:$0x2] =	stream.linear.gather @!p1 [hbm4b:s15+s16], $0x200, $0x38;
	[tilespmem:$0x800] =	vst v63  }
0x2e: {  	p1 =	sge.u32 s31, s8  }
.Ltmp2:
0x2f: {  	_ = 	snop;
	(pc) =	sbr.rel @p1 .LBB2_5-.Ltmp2, $1  }
0x30: {  	_ =	sdelay $0x3  }
0x31: {  	s14 =	simm.s32 $0x1  }
0x32: {  	_ =	swait.ge [sflag:s7], $0x200;
	s14 =	simm.s32 @!p0 $0x0  }
0x33: {  	[sflag:s7] =	ssyncset.done $0x0;
	s14 =	sshll.u32 s14, $0x9  }
0x34: {  	[sflag:s7] =	ssyncadd.s32 $0xFFFFFE00;
	(ifvalue) =	ssetifvalue $0x7FFFFFFF;
	v0 =	vld.msk [tilespmem:s14+$0x0 ss:$0x1], $0xffff  }
0x35: {  	s15 =	sadd.s32 $0x10, s14  }
0x36: {  	v1 =	vld.msk [tilespmem:s15+$0x0 ss:$0x1], $0xffff;
	_ =	sdelay $0x2  }
0x37: {  	v2 =	vshrl.u32 v0, $0x2  }
0x38: {  	vm1 =	veq.s32 v0, $0x80000000;
	v0 =	vand.u32 $0x3, v0;
	v2 =	vand.u32 $0x1FFF, v2  }
0x39: {  	v0 =	vsel vm1, $0xFFFFFFFF, v0;
	v6 =	vshrl.u32 v1, $0x2;
	v2 =	vsel vm1, $0xFFFFFFFF, v2  }
0x3a: {  	v3 =	vshrl.u32 v0, $0x2;
	v0 =	vshll.u32 v0, $0x7;
	vm1 =	veq.s32 v1, $0x80000000  }
0x3b: {  	s15 =	sadd.s32 $0x10, s15;
	v1 =	vand.u32 $0x3, v1;
	v4 =	vshll.u32 v2, $0x2;
	v3 =	vmul.u32 $0x5000, v3  }
0x3c: {  	v0 =	vand.u32 $0x180, v0;
	v7 =	vand.u32 $0x7F, v2;
	v5 =	vand.u32 $0xFFFFFE00, v4;
	v4 =	vld.msk [tilespmem:s15+$0x0 ss:$0x1], $0xffff  }
0x3d: {  	v1 =	vsel vm1, $0xFFFFFFFF, v1;
	v2 =	vadd.s32 v3, v5;
	v3 =	vand.u32 $0x1FFF, v6  }
0x3e: {  	v3 =	vsel vm1, $0xFFFFFFFF, v3;
	v0 =	vor.u32 v0, v2;
	v2 =	vshrl.u32 v1, $0x2  }
0x3f: {  	s16 =	sshll.u32 s12, $0x9;
	s18 =	simm.s32 $0x30;
	v1 =	vshll.u32 v1, $0x7;
	v5 =	vshll.u32 v3, $0x2;
	v8 =	vmul.u32 $0x5000, v2  }
0x40: {  	s31 =	sand.u32 $0x200, s16;
	s17 =	sadd.s32 $0x10, s15;
	s15 =	sor.u32 $0x400, s14;
	v2 =	vand.u32 $0x180, v1;
	v0 =	vor.u32 v7, v0;
	v5 =	vand.u32 $0xFFFFFE00, v5  }
0x41: {  	s14 =	sor.u32 $0x400, s31;
	s16 =	smov.u32 s15;
	v1 =	vld.msk [tilespmem:s17+$0x0 ss:$0x1], $0xffff;
	v3 =	vand.u32 $0x7F, v3;
	(ifvalue) =	ssetifvalue $0x7FFFFFFF;
	v6 =	vshrl.u32 v4, $0x2;
	v5 =	vadd.s32 v8, v5  }
.LBB2_3:
0x42: {  	s18 =	sadd.s32 $0x10, s18  }
0x43: {  	vm1 =	veq.s32 v4, $0x80000000;
	v4 =	vand.u32 $0x3, v4;
	v6 =	vand.u32 $0x1FFF, v6;
	s15 =	sadd.s32 $0x10, s15;
	p1 =	slt.u32 s18, $0x1F0  }
.Ltmp3:
0x44: {  	v5 =	vor.u32 v2, v5;
	v4 =	vsel vm1, $0xFFFFFFFF, v4;
	v7 =	vsel vm1, $0xFFFFFFFF, v6;
	(pc) =	sbr.rel @p1 .LBB2_3-.Ltmp3, $4  }
0x45: {  	v2 =	vshrl.u32 v4, $0x2;
	v6 =	vshll.u32 v7, $0x2;
	v4 =	vshll.u32 v4, $0x7;
	[tilespmem:s16], [sflag:$0x1] =	stream.indirect_vreg.gather [hbm4b:s3+s10], $0x1, v0, vm0, $0x4038;
	[tilespmem:$0x800] =	vst v63  }
0x46: {  	v0 =	vor.u32 v3, v5;
	s16 =	smov.u32 s15;
	v8 =	vmul.u32 $0x5000, v2;
	v2 =	vand.u32 $0x180, v4  }
0x47: {  	s17 =	sadd.s32 $0x10, s17;
	v9 =	vand.u32 $0xFFFFFE00, v6  }
0x48: {  	v3 =	vand.u32 $0x7F, v7;
	v6 =	vshrl.u32 v1, $0x2;
	v5 =	vadd.s32 v8, v9;
	(ifvalue) =	ssetifvalue $0x7FFFFFFF;
	v4 =	vmovc v1;
	v1 =	vld.msk [tilespmem:s17+$0x0 ss:$0x1], $0xffff  }
.Ltmp4:
0x49: {  	_ = 	snop;
	(pc) =	sbr.rel .LBB2_4-.Ltmp4, $1  }
0x4a: {  	_ =	sdelay $0x3  }
.LBB2_6:
0x4b: {  	_ =	sfence.sel $0x180000  }
0x4c: {  	s2 =	simm.s32 $0x2;
	[bflag:$0x0] =	sbarrier.arrive $0xFFFF  }
0x4d: {  	s30 =	simm.s32 $0x3;
	[sflag:s2] =	ssyncpa.u1 $0x1  }
0x4e: {  	s31 =	simm.s32 $0x1;
	[sflag:s30] =	ssyncpa.u1 $0x1  }
0x4f: {  	[sflag:s31] =	ssyncpa.u1 $0x1  }
0x50: {  	p0 =	sne.s32 s1, $0x0;
	_ =	strace $0x9000004A  }
0x51: {  	s0 =	sadd.s32 @!p0 $0x100000, s0;
	[bflag:$0x2] =	sbarrier.arrive $0xFFFF  }
0x52: {  	[sflag:s0] =	ssyncadd.tile.s32 @!p0 $0x1;
	_ =	shalt  }
.Lfunc_end2:
_tile_overlayer_lowered:
.L_overlay_start_2:
0x53: {  	(tag) =	ssettag $0x2  }
0x54: {  	s0 =	rddreg [dreg:$0x0];
	s2 =	stileid.u32  }
0x55: {  	s1 =	rddreg [dreg:$0x1];
	p0 =	sne.s32 s2, $0x0  }
0x56: {  	s3 =	rddreg [dreg:$0x2];
	[bflag:$0x3] =	sbarrier.arrive $0xFFFF;
	s2 =	simm.s32 @!p0 $0x1C01  }
0x57: {  	[timem:s3], [sflag:s2] =	dma.local @!p0 [hbm:s0], s1  }
0x58: {  	s0 =	simm.s32 @!p0 $0x1  }
0x59: {  	_ =	swait.ge @!p0 [sflag:s0], s1  }
0x5a: {  	s1 =	ssub.s32 @!p0 $0x0, s1;
	[sflag:s0] =	ssyncset.done @!p0 $0x0  }
0x5b: {  	[sflag:s0] =	ssyncadd.s32 @!p0 s1  }
0x5c: {  	[bflag:$0x3] =	sbarrier.arrive $0xFFFF  }
0x5d: {  	_ =	shalt  }

// kernel: gather_offload_async_start.2
scs
__scs_entry_jumppad:
0x0: {  	(pc) =	sbr.rel $0x88, $3  }
0x1: {  	(tag) =	ssettag $0x0;
	lr =	simm.s32 $0x1  }
0x2: {  	[smem:$0x3F9F] =	sst lr;
	_ =	strace $0xD0000000  }
0x3: {  	_ = 	snop  }
0x4: {  	_ = 	snop  }
0x5: {  	_ = 	snop  }
0x6: {  	_ = 	snop  }
0x7: {  	_ = 	snop  }
__scs_overlays_trampoline_lowered:
0x8: {  	[smem:$0x3FAE] =	sst s0  }
0x9: {  	[smem:$0x3FAF] =	sst s1  }
0xa: {  	[smem:$0x3FB0] =	sst s2  }
0xb: {  	[smem:$0x3FB1] =	sst s3  }
0xc: {  	[smem:$0x3FB2] =	sst s4  }
0xd: {  	[smem:$0x3FB3] =	sst s5  }
0xe: {  	[smem:$0x3FB4] =	sst s6  }
0xf: {  	[smem:$0x3FB5] =	sst s7  }
0x10: {  	[smem:$0x3FB6] =	sst s8  }
0x11: {  	[smem:$0x3FB7] =	sst s9;
	s0 =	simm.s32 @!p0 $0x0  }
0x12: {  	s1 =	sld [smem:$0x3F9D];
	s0 =	simm.s32 @p0 $0x1  }
0x13: {  	[smem:$0x3FB8] =	sst s0;
	s0 =	simm.s32 @!p1 $0x0  }
0x14: {  	s2 =	sld [smem:$0x3F9C];
	s0 =	simm.s32 @p1 $0x1  }
0x15: {  	[smem:$0x3FB9] =	sst s0;
	s0 =	simm.s32 @!p2 $0x0  }
0x16: {  	s3 =	sld [smem:$0x3FDB];
	s0 =	simm.s32 @p2 $0x1  }
0x17: {  	s4 =	simm.s32 $0x1BF5;
	[smem:$0x3FBB] =	sst s0  }
0x18: {  	s0 =	sld [smem:$0x3F9E];
	_ =	swait.ge [sflag:s4], $0x0  }
0x19: {  	s7 =	sld [smem:$0x3F9F]  }
0x1a: {  	s8 =	sadd.s32 $0xFFFFE003, lr  }
0x1b: {  	s9 =	sadd.s32 $0xFFFFFEF7, lr;
	s5 =	simm.s32 $0xFFFFFFFF;
	p2 =	slt.u32 s8, $0xFFFFF086  }
0x1c: {  	p1 =	slt.u32 s9, $0xF7A;
	s5 =	simm.s32 @!p2 $0x0  }
0x1d: {  	s5 =	simm.s32 @p1 $0x1;
	p0 =	seq.s32 s7, s2  }
0x1e: {  	s7 =	smul.u32 @!p0 $0xF7A, s2;
	p2 =	seq.s32 @!p0 s5, $0x0  }
0x1f: {  	s9 =	smul.u32 $0xF7A, s1;
	s8 =	simm.s32 @!p0 $0x1BF5;
	p2 =	por !p2, p0  }
0x20: {  	[sflag:s8] =	ssyncset.s32 @!p0 $0xFFFFF086;
	s6 =	sadd.s32 @!p0 s3, s7;
	s7 =	simm.s32 @!p0 $0x108  }
0x21: {  	s3 =	sadd.s32 s3, s9;
	s6 =	sadd.s32 @!p0 $0x88, s6;
	s7 =	simm.s32 @p2 $0x1082  }
0x22: {  	[simem:s7], [sflag:s8] =	dma.local @!p0 [hbm:s6], $0xF7A  }
0x23: {  	s9 =	sor.u32 $0xD0000000, s2;
	s6 =	simm.s32 $0x108;
	_ =	swait.ge @!p0 [sflag:s8], $0x0  }
0x24: {  	s3 =	sadd.s32 $0x88, s3;
	s6 =	simm.s32 @!p1 $0x1082;
	[sflag:s4] =	ssyncset.s32 $0xFFFFF086  }
0x25: {  	[simem:s6], [sflag:s4] =	dma.local [hbm:s3], $0xF7A  }
0x26: {  	[smem:$0x3F9F] =	sst s1;
	(tag) =	ssettag s2;
	_ =	strace s9  }
0x27: {  	s1 =	sld [smem:$0x3FAF]  }
0x28: {  	s2 =	sld [smem:$0x3FB0]  }
0x29: {  	s4 =	sld [smem:$0x3FB2]  }
0x2a: {  	p0 =	seq.s32 s5, $0x0;
	s5 =	sld [smem:$0x3FB3]  }
0x2b: {  	s6 =	sld [smem:$0x3FB4]  }
0x2c: {  	s7 =	sld [smem:$0x3FB5]  }
0x2d: {  	s3 =	simm.s32 $0x108;
	s8 =	sld [smem:$0x3FB6]  }
0x2e: {  	s3 =	simm.s32 @!p0 $0x1082;
	s9 =	sld [smem:$0x3FB7]  }
0x2f: {  	lr =	sadd.s32 s0, s3;
	s0 =	sld [smem:$0x3FAE]  }
0x30: {  	s3 =	sld [smem:$0x3FB1]  }
0x31: {  	[smem:$0x3FBA] =	sst s10  }
0x32: {  	s10 =	sld [smem:$0x3FB8];
	_ =	sdelay $0x3  }
0x33: {  	p0 =	seq.s32 s10, $0x1;
	s10 =	sld [smem:$0x3FBA];
	_ =	sdelay $0x3  }
0x34: {  	[smem:$0x3FBA] =	sst s10  }
0x35: {  	s10 =	sld [smem:$0x3FB9];
	_ =	sdelay $0x3  }
0x36: {  	p1 =	seq.s32 s10, $0x1;
	s10 =	sld [smem:$0x3FBA];
	_ =	sdelay $0x3  }
0x37: {  	[smem:$0x3FBA] =	sst s10  }
0x38: {  	s10 =	sld [smem:$0x3FBB]  }
0x39: {  	_ = 	snop;
	(pc) =	sbr.ind lr, $3  }
0x3a: {  	_ = 	snop  }
0x3b: {  	_ = 	snop  }
0x3c: {  	p2 =	seq.s32 s10, $0x1;
	s10 =	sld [smem:$0x3FBA]  }
0x3d: {  	_ =	shalt  }
0x3e: {  	_ =	shalt  }
0x3f: {  	_ =	shalt  }
0x40: {  	_ =	shalt  }
0x41: {  	_ =	shalt  }
0x42: {  	_ =	shalt  }
0x43: {  	_ =	shalt  }
0x44: {  	_ =	shalt  }
0x45: {  	_ =	shalt  }
0x46: {  	_ =	shalt  }
0x47: {  	_ =	shalt  }
0x48: {  	_ =	shalt  }
0x49: {  	_ =	shalt  }
0x4a: {  	_ =	shalt  }
0x4b: {  	_ =	shalt  }
0x4c: {  	_ =	shalt  }
0x4d: {  	_ =	shalt  }
0x4e: {  	_ =	shalt  }
0x4f: {  	_ =	shalt  }
0x50: {  	_ =	shalt  }
0x51: {  	_ =	shalt  }
0x52: {  	_ =	shalt  }
0x53: {  	_ =	shalt  }
0x54: {  	_ =	shalt  }
0x55: {  	_ =	shalt  }
0x56: {  	_ =	shalt  }
0x57: {  	_ =	shalt  }
0x58: {  	_ =	shalt  }
0x59: {  	_ =	shalt  }
0x5a: {  	_ =	shalt  }
0x5b: {  	_ =	shalt  }
0x5c: {  	_ =	shalt  }
0x5d: {  	_ =	shalt  }
0x5e: {  	_ =	shalt  }
0x5f: {  	_ =	shalt  }
0x60: {  	_ =	shalt  }
0x61: {  	_ =	shalt  }
0x62: {  	_ =	shalt  }
0x63: {  	_ =	shalt  }
0x64: {  	_ =	shalt  }
0x65: {  	_ =	shalt  }
0x66: {  	_ =	shalt  }
0x67: {  	_ =	shalt  }
0x68: {  	_ =	shalt  }
0x69: {  	_ =	shalt  }
0x6a: {  	_ =	shalt  }
0x6b: {  	_ =	shalt  }
0x6c: {  	_ =	shalt  }
0x6d: {  	_ =	shalt  }
0x6e: {  	_ =	shalt  }
0x6f: {  	_ =	shalt  }
0x70: {  	_ =	shalt  }
0x71: {  	_ =	shalt  }
0x72: {  	_ =	shalt  }
0x73: {  	_ =	shalt  }
0x74: {  	_ =	shalt  }
0x75: {  	_ =	shalt  }
0x76: {  	_ =	shalt  }
0x77: {  	_ =	shalt  }
0x78: {  	_ =	shalt  }
0x79: {  	_ =	shalt  }
0x7a: {  	_ =	shalt  }
0x7b: {  	_ =	shalt  }
0x7c: {  	_ =	shalt  }
0x7d: {  	_ =	shalt  }
0x7e: {  	_ =	shalt  }
0x7f: {  	_ =	shalt  }
0x80: {  	_ =	shalt  }
0x81: {  	_ =	shalt  }
0x82: {  	_ =	shalt  }
0x83: {  	_ =	shalt  }
0x84: {  	_ =	shalt  }
0x85: {  	_ =	shalt  }
0x86: {  	_ =	shalt  }
0x87: {  	_ =	shalt  }
.Lfunc_end0:
.L_simem_size_0:
called_computation.2_lowered:
.L_overlay_start_0:
0x88: {  	s2 =	sld [smem:$0x3FD9]  }
0x89: {  	s3 =	sld [smem:$0x3FFE];
	_ =	sdelay $0x1  }
0x8a: {  	s1 =	srdreg.scid  }
0x8b: {  	s0 =	sand.u32 $0x1, s1  }
0x8c: {  	s17 =	sshll.u32 s0, $0xA;
	s2 =	sadd.s32 s3, s2  }
0x8d: {  	s2 =	sadd.s32 s2, s17  }
0x8e: {  	[smem:$0x3FC6] =	sst s2  }
0x8f: {  	_ = 	snop  }
0x90: {  	(tm) =	ssettm $0x1  }
0x91: {  	s18 =	sld [smem:$0x3FFB];
	_ =	sdelay $0x3  }
0x92: {  	_ =	strace s18  }
0x93: {  	s2 =	sld [smem:$0x3FFC];
	_ =	sdelay $0x3  }
0x94: {  	_ =	strace s2  }
0x95: {  	s2 =	sld [smem:$0x3FFD];
	_ =	sdelay $0x3  }
0x96: {  	_ =	strace s2  }
0x97: {  	_ =	strace $0x8FFFFFFF  }
0x98: {  	s19 =	sld [smem:$0x3FDB];
	_ =	sdelay $0x1  }
0x99: {  	s20 =	simm.s32 $_scs_section_size  }
0x9a: {  	s4 =	simm.s32 $_size__tile_overlayer_lowered;
	s5 =	simm.s32 $_tile_overlayer_lowered  }
0x9b: {  	s6 =	simm.s32 $0x1BFF;
	s21 =	sshll.u32 s5, $0x1;
	s3 =	sadd.s32 s20, s19  }
0x9c: {  	s22 =	simm.s32 $0x0;
	s4 =	sshll.u32 s4, $0x1;
	s5 =	sadd.s32 s21, s3  }
0x9d: {  	[timem:s22], [sflag:s6] =	dma.local [hbm:s5], s4  }
0x9e: {  	_ =	swait.ge [sflag:s6], s4  }
0x9f: {  	s4 =	ssub.s32 $0x0, s4;
	[sflag:s6] =	ssyncset.done $0x0  }
0xa0: {  	[sflag:s6] =	ssyncadd.s32 s4;
	_ =	sdelay $0x1  }
0xa1: {  	s23 =	simm.s32 $0x1B8B  }
0xa2: {  	_ =	swait.ge [sflag:s23], $0x1  }
0xa3: {  	[sflag:s23] =	ssyncset.done $0x0  }
0xa4: {  	[sflag:s23] =	ssyncadd.s32 $0xFFFFFFFF  }
0xa5: {  	s4 =	sld [smem:$0x0]  }
0xa6: {  	s5 =	sand.u32 $0xFFFFFFFE, s1  }
0xa7: {  	p0 =	sne.s32 s1, s5  }
0xa8: {  	s5 =	sshll.u32 @p0 s5, $0xE  }
0xa9: {  	s5 =	sadd.s32 @p0 $0x11B8D, s5;
	s6 =	sshll.u32 @p0 s4, $0x11  }
0xaa: {  	s5 =	sor.u32 @p0 s6, s5  }
0xab: {  	[sflag:s5] =	ssyncadd.remote.s32 @p0 $0x1;
	_ =	sdelay $0x1  }
0xac: {  	s5 =	simm.s32 @p0 $0x1B8D  }
0xad: {  	_ =	swait.eq @p0 [sflag:s5], $0x1  }
0xae: {  	[sflag:s5] =	ssyncadd.s32 @p0 $0xFFFFFFFF  }
0xaf: {  	s6 =	sshll.u32 @!p0 s1, $0xE  }
0xb0: {  	s6 =	sor.u32 @!p0 $0x4000, s6;
	s5 =	simm.s32 @!p0 $0x1B8D  }
0xb1: {  	s4 =	sshll.u32 @!p0 s4, $0x11;
	s6 =	sadd.s32 @!p0 $0x11B8D, s6;
	_ =	swait.eq @!p0 [sflag:s5], $0x1  }
0xb2: {  	s4 =	sor.u32 @!p0 s4, s6;
	[sflag:s5] =	ssyncadd.s32 @!p0 $0xFFFFFFFF  }
0xb3: {  	s25 =	simm.s32 $0x1B8E;
	s24 =	sld [smem:$0x3FFE];
	[sflag:s4] =	ssyncadd.remote.s32 @!p0 $0x1  }
0xb4: {  	s26 =	simm.s32 $execute0_lowered;
	[smem:$0x3FD2] =	sst s25  }
0xb5: {  	s5 =	sshll.u32 s26, $0x1;
	_ =	strace $0x8000004C;
	[dreg:$0x1] =	wrdreg $0xFFFFFFFF  }
0xb6: {  	s28 =	simm.s32 $_size_execute0_lowered;
	s3 =	sadd.s32 s3, s5;
	[dreg:$0x0] =	wrdreg $0x0  }
0xb7: {  	s5 =	sshll.u32 s28, $0x1;
	[dreg:$0x2] =	wrdreg s3  }
0xb8: {  	[dreg:$0x3] =	wrdreg s5  }
0xb9: {  	[dreg:$0x4] =	wrdreg $0xC0  }
0xba: {  	_ =	task [dreg:s22], $0x5FFFF  }
0xbb: {  	[dreg:$0x1] =	wrdreg $0xFFFFFFFF  }
0xbc: {  	[dreg:$0x0] =	wrdreg $0x60  }
0xbd: {  	[dreg:$0x2] =	wrdreg s24  }
0xbe: {  	[dreg:$0x3] =	wrdreg $0xA  }
0xbf: {  	_ =	task.clear_ibuf [dreg:s22], $0x4FFFF;
	_ =	strace $0x9000004C  }
0xc0: {  	s29 =	simm.s32 $0xA;
	_ =	strace $0x8000004E  }
0xc1: {  	_ =	swait.ge [sflag:s29], $0x1  }
0xc2: {  	[sflag:s29] =	ssyncadd.s32 $0xFFFFFFFF  }
0xc3: {  	_ =	strace $0x9000004E  }
0xc4: {  	_ =	sfence  }
0xc5: {  	s30 =	sld [smem:$0x0];
	_ =	sdelay $0x2  }
0xc6: {  	s31 =	sshll.u32 s1, $0xD;
	s1 =	sshrl.u32 s1, $0x2  }
0xc7: {  	s4 =	sand.u32 $0x4000, s31;
	s1 =	sadd.s32 s1, s30  }
0xc8: {  	s0 =	sor.u32 s4, s0;
	s1 =	sshll.u32 s1, $0x11  }
0xc9: {  	s0 =	sor.u32 s1, s0  }
0xca: {  	s0 =	sadd.s32 $0x8F2B, s0  }
0xcb: {  	[sflag:s0] =	ssyncadd.remote.s32 $0x1  }
0xcc: {  	_ =	sfence.sel $0xFFFF  }
0xcd: {  	[dreg:$0x0] =	wrdreg $0xFFFFFFFF;
	(pc) =	sbr.abs _section_cstart, $3  }
0xce: {  	[dreg:$0x1] =	wrdreg $0xFFFFFFFF  }
0xcf: {  	_ =	task.clear_ibuf [dreg:s22], $0x2FFFF;
	_ =	strace $0x9FFFFFFF  }
0xd0: {  	(tm) =	ssettm $0x7FFFFFFF  }
0xd1: {  	_ =	shalt  }
tec
execute0_lowered:
.L_overlay_start_1:
0x0: {  	(tag) =	ssettag $0x1  }
0x1: {  	s0 =	srdreg.scid  }
0x2: {  	s1 =	sshll.u32 s0, $0x4  }
0x3: {  	s0 =	stileid.u32;
	s1 =	sand.u32 $0x10, s1  }
0x4: {  	s2 =	sor.u32 s0, s1  }
0x5: {  	s3 =	smin.u32 s2, $0x10  }
0x6: {  	s1 =	sshll.u32 s1, $0x4;
	s2 =	sshll.u32 s2, $0x9;
	s3 =	sshll.u32 s3, $0x8  }
0x7: {  	s9 =	rddreg [dreg:$0x0];
	s1 =	sxor.u32 $0x300, s1;
	s2 =	sadd.s32 s2, s3  }
0x8: {  	s6 =	simm.s32 $0x1;
	s7 =	simm.s32 $0x2;
	s1 =	sadd.s32 s1, s2  }
0x9: {  	s10 =	simm.s32 $0x3;
	s13 =	simm.s32 $0x0;
	s3 =	smin.u32 s1, $0x5000  }
0xa: {  	s12 =	simm.s32 $0x0;
	s4 =	sadd.s32 $0x54400, s9;
	s8 =	ssub.s32 s3, s2  }
.Ltmp0:
0xb: {  	s5 =	sadd.s32 $0x1400, s9;
	p0 =	sgt.s32 s8, $0x0;
	(pc) =	sbr.rel .LBB2_1-.Ltmp0, $4  }
0xc: {  	s1 =	rddreg [dreg:$0x1];
	_ =	strace $0x8000004D;
	s8 =	simm.s32 @!p0 $0x0  }
0xd: {  	s9 =	sadd.s32 $0xA5800, s9;
	[sflag:s6] =	ssyncpa.u1 $0x0;
	s8 =	sadd.s32 $0xFF, s8  }
0xe: {  	s11 =	smov.u32 s2;
	[sflag:s7] =	ssyncpa.u1 $0x0;
	s8 =	sshrl.u32 s8, $0x8  }
0xf: {  	vm0 =	vmmov $0xff;
	vm1 =	vcmask $0x3F20;
	[sflag:s10] =	ssyncpa.u1 $0x0;
	p0 =	por $0x0, $0x0;
	s10 =	sadd.s32 $0x1, s8  }
.LBB2_6:
0x10: {  	[hbm:s17] =	stream.linear.scatter [tilespmem:s14], [sflag:$0x3], $0x400, $0x38;
	[tilespmem:$0x10200] =	vst v63  }
.LBB2_7:
0x11: {  	s13 =	sadd.s32 $0x100, s11  }
0x12: {  	s15 =	smov.u32 s2;
	p2 =	slt.s32 s13, s3  }
0x13: {  	s15 =	smov.u32 @p2 s13;
	p2 =	sne.s32 s12, s10  }
.Ltmp1:
0x14: {  	p1 =	slt.u32 s12, $0x2;
	(pc) =	sbr.rel @!p2 .LBB2_8-.Ltmp1, $4  }
0x15: {  	s14 =	simm.s32 @!p1 $0x3  }
0x16: {  	s16 =	sadd.s32 $0x1, s12;
	_ =	swait.ge @!p1 [sflag:s14], $0x8000  }
0x17: {  	p0 =	por !p0, !p0;
	s13 =	smov.u32 s11;
	[sflag:s14] =	ssyncset.done @!p1 $0x0  }
0x18: {  	s12 =	smov.u32 s16;
	s11 =	smov.u32 s15;
	[sflag:s14] =	ssyncadd.s32 @!p1 $0xFFFF8000  }
.LBB2_1:
0x19: {  	p1 =	sge.u32 s12, s8  }
0x1a: {  	s14 =	sxor.u32 @!p1 $0xFFFFFFFF, s12  }
0x1b: {  	s31 =	sadd.s32 $0xFFFFFFFF, s12;
	s15 =	sshrl.u32 @!p1 s11, $0x3;
	s14 =	sshll.u32 @!p1 s14, $0x8  }
0x1c: {  	s16 =	sand.u32 @!p1 $0x7, s11;
	s15 =	sadd.s32 @!p1 s5, s15;
	s14 =	sand.u32 @!p1 $0x100, s14  }
0x1d: {  	[tilespmem:s14], [sflag:$0x2] =	stream.linear.gather @!p1 [hbm4b:s15+s16], $0x100, $0x38;
	[tilespmem:$0x10200] =	vst v63  }
0x1e: {  	p1 =	sge.u32 s31, s8  }
.Ltmp2:
0x1f: {  	_ = 	snop;
	(pc) =	sbr.rel @p1 .LBB2_7-.Ltmp2, $1  }
0x20: {  	_ =	sdelay $0x3  }
0x21: {  	s14 =	simm.s32 $0x1  }
0x22: {  	_ =	swait.ge [sflag:s7], $0x100;
	s14 =	simm.s32 @!p0 $0x0  }
0x23: {  	[sflag:s7] =	ssyncset.done $0x0;
	s16 =	sshll.u32 s14, $0x8  }
0x24: {  	[sflag:s7] =	ssyncadd.s32 $0xFFFFFF00;
	s15 =	sadd.s32 $0x0, s16  }
0x25: {  	v0 =	vld.msk [tilespmem:s15+$0x0 ss:$0x1], $0xffff;
	_ =	sdelay $0x4  }
0x26: {  	v1 =	vand.u32 $0x3, v0;
	v2 =	vshll.u32 v0, $0x5  }
0x27: {  	vm2 =	veq.s32 v0, $0x80000000;
	v0 =	vmul.u32 $0xA0000, v1;
	v1 =	vand.u32 $0xFFF80, v2  }
0x28: {  	v1 =	vsel vm2, $0xFFFFFF80, v1  }
0x29: {  	v0 =	vsel vm2, $0xFFF60000, v0;
	v2 =	vand.u32 $0xFFFFFC00, v1  }
0x2a: {  	v1 =	vand.u32 $0x380, v1;
	v0 =	vadd.s32 v0, v2  }
0x2b: {  	v0 =	vor.u32 v1, v0  }
0x2c: {  	v0 =	vshrl.u32 v0, $0x3;
	_ =	sdelay $0x2  }
0x2d: {  	s14 =	sshll.u32 s14, $0xF  }
0x2e: {  	s14 =	sor.u32 $0x200, s14  }
0x2f: {  	[tilespmem:s14], [sflag:$0x1] =	stream.indirect_vreg.gather [hbm:s4], $0x80, v0, vm0, $0x38;
	[tilespmem:$0x10200] =	vst v63  }
0x30: {  	s17 =	sadd.s32 $0x10, s16;
	s15 =	sadd.s32 $0x400, s14  }
0x31: {  	[tilespmem:s15], [sflag:$0x1] =	stream.indirect_vreg.gather [hbm:s4], $0x80, v0, vm1, $0x38;
	[tilespmem:$0x10200] =	vst v63  }
0x32: {  	s18 =	simm.s32 $0x80;
	v0 =	vld.msk [tilespmem:s17+$0x0 ss:$0x1], $0xffff;
	s17 =	smov.u32 s14  }
.LBB2_3:
0x33: {  	p1 =	sne.s32 s18, $0x3C0;
	_ =	sdelay $0x4  }
0x34: {  	v1 =	vand.u32 $0x3, v0;
	v2 =	vshll.u32 v0, $0x5  }
0x35: {  	vm2 =	veq.s32 v0, $0x80000000;
	v0 =	vmul.u32 $0xA0000, v1;
	v1 =	vand.u32 $0xFFF80, v2  }
0x36: {  	v1 =	vsel vm2, $0xFFFFFF80, v1  }
0x37: {  	v0 =	vsel vm2, $0xFFF60000, v0;
	v2 =	vand.u32 $0xFFFFFC00, v1  }
0x38: {  	v1 =	vand.u32 $0x380, v1;
	v0 =	vadd.s32 v0, v2  }
0x39: {  	v0 =	vor.u32 v1, v0  }
0x3a: {  	v0 =	vshrl.u32 v0, $0x3;
	_ =	sdelay $0x3  }
.Ltmp3:
0x3b: {  	s19 =	sshra.s32 s18, $0x2;
	s17 =	sadd.s32 $0x800, s17;
	(pc) =	sbr.rel @p1 .LBB2_3-.Ltmp3, $4  }
0x3c: {  	[tilespmem:s17], [sflag:$0x1] =	stream.indirect_vreg.gather [hbm:s4], $0x80, v0, vm0, $0x38;
	[tilespmem:$0x10200] =	vst v63  }
0x3d: {  	s19 =	sadd.s32 s19, s16;
	s20 =	sadd.s32 $0x400, s17  }
0x3e: {  	[tilespmem:s20], [sflag:$0x1] =	stream.indirect_vreg.gather [hbm:s4], $0x80, v0, vm1, $0x38;
	[tilespmem:$0x10200] =	vst v63  }
0x3f: {  	s18 =	sadd.s32 $0x40, s18;
	v0 =	vld.msk [tilespmem:s19+$0x0 ss:$0x1], $0xffff  }
0x40: {  	_ =	sdelay $0x3  }
0x41: {  	v1 =	vand.u32 $0x3, v0;
	v2 =	vshll.u32 v0, $0x5  }
0x42: {  	vm2 =	veq.s32 v0, $0x80000000;
	v61 =	vmul.u32 $0xA0000, v1;
	v62 =	vand.u32 $0xFFF80, v2  }
0x43: {  	v1 =	vsel vm2, $0xFFFFFF80, v62  }
0x44: {  	v0 =	vsel vm2, $0xFFF60000, v61;
	v63 =	vand.u32 $0xFFFFFC00, v1  }
0x45: {  	v1 =	vand.u32 $0x380, v1;
	v0 =	vadd.s32 v0, v63  }
0x46: {  	v0 =	vor.u32 v1, v0  }
0x47: {  	v0 =	vshrl.u32 v0, $0x3;
	_ =	sdelay $0x3  }
0x48: {  	s16 =	sadd.s32 $0x800, s17  }
0x49: {  	[tilespmem:s16], [sflag:$0x1] =	stream.indirect_vreg.gather [hbm:s4], $0x80, v0, vm0, $0x38;
	[tilespmem:$0x10200] =	vst v63  }
0x4a: {  	s16 =	sadd.s32 $0x400, s16  }
0x4b: {  	[tilespmem:s16], [sflag:$0x1] =	stream.indirect_vreg.gather [hbm:s4], $0x80, v0, vm1, $0x38;
	[tilespmem:$0x10200] =	vst v63  }
0x4c: {  	s13 =	sshll.u32 s13, $0x4;
	_ =	swait.ge [sflag:s6], $0x8000  }
0x4d: {  	s13 =	sadd.s32 s13, s9;
	[sflag:s6] =	ssyncset.done $0x0  }
0x4e: {  	s17 =	sadd.s32 $0x0, s13;
	s16 =	simm.s32 $0x80;
	[sflag:s6] =	ssyncadd.s32 $0xFFFF8000  }
.LBB2_5:
0x4f: {  	[hbm:s17] =	stream.linear.scatter [tilespmem:s14], [sflag:$0x3], $0x400, $0x38;
	[tilespmem:$0x10200] =	vst v63  }
0x50: {  	s17 =	smov.u32 s16;
	s14 =	smov.u32 s15;
	p1 =	sne.s32 s16, $0xF80  }
.Ltmp4:
0x51: {  	s16 =	sadd.s32 $0x80, s16;
	(pc) =	sbr.rel @p1 .LBB2_5-.Ltmp4, $2  }
0x52: {  	_ =	sdelay $0x2  }
0x53: {  	s15 =	sadd.s32 $0x400, s15;
	s17 =	sadd.s32 s17, s13  }
.Ltmp5:
0x54: {  	_ = 	snop;
	(pc) =	sbr.rel .LBB2_6-.Ltmp5, $1  }
0x55: {  	_ =	sdelay $0x3  }
.LBB2_8:
0x56: {  	_ =	sfence.sel $0x180000  }
0x57: {  	s2 =	simm.s32 $0x2;
	[bflag:$0x0] =	sbarrier.arrive $0xFFFF  }
0x58: {  	s30 =	simm.s32 $0x3;
	[sflag:s2] =	ssyncpa.u1 $0x1  }
0x59: {  	s31 =	simm.s32 $0x1;
	[sflag:s30] =	ssyncpa.u1 $0x1  }
0x5a: {  	[sflag:s31] =	ssyncpa.u1 $0x1  }
0x5b: {  	p0 =	sne.s32 s0, $0x0;
	_ =	strace $0x9000004D  }
0x5c: {  	s0 =	sadd.s32 @!p0 $0x100000, s1;
	[bflag:$0x2] =	sbarrier.arrive $0xFFFF  }
0x5d: {  	[sflag:s0] =	ssyncadd.tile.s32 @!p0 $0x1;
	_ =	shalt  }
.Lfunc_end2:
_tile_overlayer_lowered:
.L_overlay_start_2:
0x5e: {  	(tag) =	ssettag $0x2  }
0x5f: {  	s0 =	rddreg [dreg:$0x0];
	s2 =	stileid.u32  }
0x60: {  	s1 =	rddreg [dreg:$0x1];
	p0 =	sne.s32 s2, $0x0  }
0x61: {  	s3 =	rddreg [dreg:$0x2];
	[bflag:$0x3] =	sbarrier.arrive $0xFFFF;
	s2 =	simm.s32 @!p0 $0x1C01  }
0x62: {  	[timem:s3], [sflag:s2] =	dma.local @!p0 [hbm:s0], s1  }
0x63: {  	s0 =	simm.s32 @!p0 $0x1  }
0x64: {  	_ =	swait.ge @!p0 [sflag:s0], s1  }
0x65: {  	s1 =	ssub.s32 @!p0 $0x0, s1;
	[sflag:s0] =	ssyncset.done @!p0 $0x0  }
0x66: {  	[sflag:s0] =	ssyncadd.s32 @!p0 s1  }
0x67: {  	[bflag:$0x3] =	sbarrier.arrive $0xFFFF  }
0x68: {  	_ =	shalt  }

// kernel: gather_offload_async_start.3
scs
__scs_entry_jumppad:
0x0: {  	(pc) =	sbr.rel $0x88, $3  }
0x1: {  	(tag) =	ssettag $0x0;
	lr =	simm.s32 $0x1  }
0x2: {  	[smem:$0x3F9F] =	sst lr;
	_ =	strace $0xD0000000  }
0x3: {  	_ = 	snop  }
0x4: {  	_ = 	snop  }
0x5: {  	_ = 	snop  }
0x6: {  	_ = 	snop  }
0x7: {  	_ = 	snop  }
__scs_overlays_trampoline_lowered:
0x8: {  	[smem:$0x3FAE] =	sst s0  }
0x9: {  	[smem:$0x3FAF] =	sst s1  }
0xa: {  	[smem:$0x3FB0] =	sst s2  }
0xb: {  	[smem:$0x3FB1] =	sst s3  }
0xc: {  	[smem:$0x3FB2] =	sst s4  }
0xd: {  	[smem:$0x3FB3] =	sst s5  }
0xe: {  	[smem:$0x3FB4] =	sst s6  }
0xf: {  	[smem:$0x3FB5] =	sst s7  }
0x10: {  	[smem:$0x3FB6] =	sst s8  }
0x11: {  	[smem:$0x3FB7] =	sst s9;
	s0 =	simm.s32 @!p0 $0x0  }
0x12: {  	s1 =	sld [smem:$0x3F9D];
	s0 =	simm.s32 @p0 $0x1  }
0x13: {  	[smem:$0x3FB8] =	sst s0;
	s0 =	simm.s32 @!p1 $0x0  }
0x14: {  	s2 =	sld [smem:$0x3F9C];
	s0 =	simm.s32 @p1 $0x1  }
0x15: {  	[smem:$0x3FB9] =	sst s0;
	s0 =	simm.s32 @!p2 $0x0  }
0x16: {  	s3 =	sld [smem:$0x3FDB];
	s0 =	simm.s32 @p2 $0x1  }
0x17: {  	s4 =	simm.s32 $0x1BF5;
	[smem:$0x3FBB] =	sst s0  }
0x18: {  	s0 =	sld [smem:$0x3F9E];
	_ =	swait.ge [sflag:s4], $0x0  }
0x19: {  	s7 =	sld [smem:$0x3F9F]  }
0x1a: {  	s8 =	sadd.s32 $0xFFFFE003, lr  }
0x1b: {  	s9 =	sadd.s32 $0xFFFFFEF7, lr;
	s5 =	simm.s32 $0xFFFFFFFF;
	p2 =	slt.u32 s8, $0xFFFFF086  }
0x1c: {  	p1 =	slt.u32 s9, $0xF7A;
	s5 =	simm.s32 @!p2 $0x0  }
0x1d: {  	s5 =	simm.s32 @p1 $0x1;
	p0 =	seq.s32 s7, s2  }
0x1e: {  	s7 =	smul.u32 @!p0 $0xF7A, s2;
	p2 =	seq.s32 @!p0 s5, $0x0  }
0x1f: {  	s9 =	smul.u32 $0xF7A, s1;
	s8 =	simm.s32 @!p0 $0x1BF5;
	p2 =	por !p2, p0  }
0x20: {  	[sflag:s8] =	ssyncset.s32 @!p0 $0xFFFFF086;
	s6 =	sadd.s32 @!p0 s3, s7;
	s7 =	simm.s32 @!p0 $0x108  }
0x21: {  	s3 =	sadd.s32 s3, s9;
	s6 =	sadd.s32 @!p0 $0x88, s6;
	s7 =	simm.s32 @p2 $0x1082  }
0x22: {  	[simem:s7], [sflag:s8] =	dma.local @!p0 [hbm:s6], $0xF7A  }
0x23: {  	s9 =	sor.u32 $0xD0000000, s2;
	s6 =	simm.s32 $0x108;
	_ =	swait.ge @!p0 [sflag:s8], $0x0  }
0x24: {  	s3 =	sadd.s32 $0x88, s3;
	s6 =	simm.s32 @!p1 $0x1082;
	[sflag:s4] =	ssyncset.s32 $0xFFFFF086  }
0x25: {  	[simem:s6], [sflag:s4] =	dma.local [hbm:s3], $0xF7A  }
0x26: {  	[smem:$0x3F9F] =	sst s1;
	(tag) =	ssettag s2;
	_ =	strace s9  }
0x27: {  	s1 =	sld [smem:$0x3FAF]  }
0x28: {  	s2 =	sld [smem:$0x3FB0]  }
0x29: {  	s4 =	sld [smem:$0x3FB2]  }
0x2a: {  	p0 =	seq.s32 s5, $0x0;
	s5 =	sld [smem:$0x3FB3]  }
0x2b: {  	s6 =	sld [smem:$0x3FB4]  }
0x2c: {  	s7 =	sld [smem:$0x3FB5]  }
0x2d: {  	s3 =	simm.s32 $0x108;
	s8 =	sld [smem:$0x3FB6]  }
0x2e: {  	s3 =	simm.s32 @!p0 $0x1082;
	s9 =	sld [smem:$0x3FB7]  }
0x2f: {  	lr =	sadd.s32 s0, s3;
	s0 =	sld [smem:$0x3FAE]  }
0x30: {  	s3 =	sld [smem:$0x3FB1]  }
0x31: {  	[smem:$0x3FBA] =	sst s10  }
0x32: {  	s10 =	sld [smem:$0x3FB8];
	_ =	sdelay $0x3  }
0x33: {  	p0 =	seq.s32 s10, $0x1;
	s10 =	sld [smem:$0x3FBA];
	_ =	sdelay $0x3  }
0x34: {  	[smem:$0x3FBA] =	sst s10  }
0x35: {  	s10 =	sld [smem:$0x3FB9];
	_ =	sdelay $0x3  }
0x36: {  	p1 =	seq.s32 s10, $0x1;
	s10 =	sld [smem:$0x3FBA];
	_ =	sdelay $0x3  }
0x37: {  	[smem:$0x3FBA] =	sst s10  }
0x38: {  	s10 =	sld [smem:$0x3FBB]  }
0x39: {  	_ = 	snop;
	(pc) =	sbr.ind lr, $3  }
0x3a: {  	_ = 	snop  }
0x3b: {  	_ = 	snop  }
0x3c: {  	p2 =	seq.s32 s10, $0x1;
	s10 =	sld [smem:$0x3FBA]  }
0x3d: {  	_ =	shalt  }
0x3e: {  	_ =	shalt  }
0x3f: {  	_ =	shalt  }
0x40: {  	_ =	shalt  }
0x41: {  	_ =	shalt  }
0x42: {  	_ =	shalt  }
0x43: {  	_ =	shalt  }
0x44: {  	_ =	shalt  }
0x45: {  	_ =	shalt  }
0x46: {  	_ =	shalt  }
0x47: {  	_ =	shalt  }
0x48: {  	_ =	shalt  }
0x49: {  	_ =	shalt  }
0x4a: {  	_ =	shalt  }
0x4b: {  	_ =	shalt  }
0x4c: {  	_ =	shalt  }
0x4d: {  	_ =	shalt  }
0x4e: {  	_ =	shalt  }
0x4f: {  	_ =	shalt  }
0x50: {  	_ =	shalt  }
0x51: {  	_ =	shalt  }
0x52: {  	_ =	shalt  }
0x53: {  	_ =	shalt  }
0x54: {  	_ =	shalt  }
0x55: {  	_ =	shalt  }
0x56: {  	_ =	shalt  }
0x57: {  	_ =	shalt  }
0x58: {  	_ =	shalt  }
0x59: {  	_ =	shalt  }
0x5a: {  	_ =	shalt  }
0x5b: {  	_ =	shalt  }
0x5c: {  	_ =	shalt  }
0x5d: {  	_ =	shalt  }
0x5e: {  	_ =	shalt  }
0x5f: {  	_ =	shalt  }
0x60: {  	_ =	shalt  }
0x61: {  	_ =	shalt  }
0x62: {  	_ =	shalt  }
0x63: {  	_ =	shalt  }
0x64: {  	_ =	shalt  }
0x65: {  	_ =	shalt  }
0x66: {  	_ =	shalt  }
0x67: {  	_ =	shalt  }
0x68: {  	_ =	shalt  }
0x69: {  	_ =	shalt  }
0x6a: {  	_ =	shalt  }
0x6b: {  	_ =	shalt  }
0x6c: {  	_ =	shalt  }
0x6d: {  	_ =	shalt  }
0x6e: {  	_ =	shalt  }
0x6f: {  	_ =	shalt  }
0x70: {  	_ =	shalt  }
0x71: {  	_ =	shalt  }
0x72: {  	_ =	shalt  }
0x73: {  	_ =	shalt  }
0x74: {  	_ =	shalt  }
0x75: {  	_ =	shalt  }
0x76: {  	_ =	shalt  }
0x77: {  	_ =	shalt  }
0x78: {  	_ =	shalt  }
0x79: {  	_ =	shalt  }
0x7a: {  	_ =	shalt  }
0x7b: {  	_ =	shalt  }
0x7c: {  	_ =	shalt  }
0x7d: {  	_ =	shalt  }
0x7e: {  	_ =	shalt  }
0x7f: {  	_ =	shalt  }
0x80: {  	_ =	shalt  }
0x81: {  	_ =	shalt  }
0x82: {  	_ =	shalt  }
0x83: {  	_ =	shalt  }
0x84: {  	_ =	shalt  }
0x85: {  	_ =	shalt  }
0x86: {  	_ =	shalt  }
0x87: {  	_ =	shalt  }
.Lfunc_end0:
.L_simem_size_0:
called_computation.3_lowered:
.L_overlay_start_0:
0x88: {  	s2 =	sld [smem:$0x3FD9]  }
0x89: {  	s3 =	sld [smem:$0x3FFE];
	_ =	sdelay $0x1  }
0x8a: {  	s1 =	srdreg.scid  }
0x8b: {  	s0 =	sand.u32 $0x1, s1  }
0x8c: {  	s16 =	sshll.u32 s0, $0xA;
	s2 =	sadd.s32 s3, s2  }
0x8d: {  	s2 =	sadd.s32 s2, s16  }
0x8e: {  	[smem:$0x3FC6] =	sst s2  }
0x8f: {  	_ = 	snop  }
0x90: {  	(tm) =	ssettm $0x1  }
0x91: {  	s17 =	sld [smem:$0x3FFB];
	_ =	sdelay $0x3  }
0x92: {  	_ =	strace s17  }
0x93: {  	s2 =	sld [smem:$0x3FFC];
	_ =	sdelay $0x3  }
0x94: {  	_ =	strace s2  }
0x95: {  	s2 =	sld [smem:$0x3FFD];
	_ =	sdelay $0x3  }
0x96: {  	_ =	strace s2  }
0x97: {  	_ =	strace $0x8FFFFFFF  }
0x98: {  	s18 =	sld [smem:$0x3FDB];
	_ =	sdelay $0x1  }
0x99: {  	s19 =	simm.s32 $_scs_section_size  }
0x9a: {  	s4 =	simm.s32 $_size__tile_overlayer_lowered;
	s5 =	simm.s32 $_tile_overlayer_lowered  }
0x9b: {  	s22 =	simm.s32 $0x1BFF;
	s21 =	sshll.u32 s5, $0x1;
	s2 =	sadd.s32 s19, s18  }
0x9c: {  	s6 =	simm.s32 $0x0;
	s20 =	sshll.u32 s4, $0x1;
	s4 =	sadd.s32 s21, s2  }
0x9d: {  	[timem:s6], [sflag:s22] =	dma.local [hbm:s4], s20  }
0x9e: {  	_ =	swait.ge [sflag:s22], s20  }
0x9f: {  	s3 =	ssub.s32 $0x0, s20;
	[sflag:s22] =	ssyncset.done $0x0  }
0xa0: {  	[sflag:s22] =	ssyncadd.s32 s3;
	_ =	sdelay $0x1  }
0xa1: {  	s23 =	simm.s32 $0x1B8B  }
0xa2: {  	_ =	swait.ge [sflag:s23], $0x1  }
0xa3: {  	[sflag:s23] =	ssyncset.done $0x0  }
0xa4: {  	s25 =	simm.s32 $0x1B8E;
	s24 =	sld [smem:$0x3FFE];
	[sflag:s23] =	ssyncadd.s32 $0xFFFFFFFF  }
0xa5: {  	s26 =	simm.s32 $execute0_lowered;
	[smem:$0x3FD2] =	sst s25  }
0xa6: {  	s4 =	sshll.u32 s26, $0x1;
	_ =	strace $0x80000046;
	[dreg:$0x1] =	wrdreg $0xFFFFFFFF  }
0xa7: {  	s28 =	simm.s32 $_size_execute0_lowered;
	s2 =	sadd.s32 s2, s4;
	[dreg:$0x0] =	wrdreg $0x0  }
0xa8: {  	s4 =	sshll.u32 s28, $0x1;
	[dreg:$0x2] =	wrdreg s2  }
0xa9: {  	[dreg:$0x3] =	wrdreg s4  }
0xaa: {  	[dreg:$0x4] =	wrdreg $0xC0  }
0xab: {  	_ =	task [dreg:s6], $0x5FFFF  }
0xac: {  	[dreg:$0x1] =	wrdreg $0xFFFFFFFF  }
0xad: {  	[dreg:$0x0] =	wrdreg $0x60  }
0xae: {  	[dreg:$0x2] =	wrdreg s24  }
0xaf: {  	[dreg:$0x3] =	wrdreg $0xA  }
0xb0: {  	_ =	task.clear_ibuf [dreg:s6], $0x4FFFF;
	_ =	strace $0x90000046  }
0xb1: {  	s29 =	simm.s32 $0xA;
	_ =	strace $0x80000048  }
0xb2: {  	_ =	swait.ge [sflag:s29], $0x1  }
0xb3: {  	[sflag:s29] =	ssyncadd.s32 $0xFFFFFFFF  }
0xb4: {  	_ =	strace $0x90000048  }
0xb5: {  	_ =	sfence  }
0xb6: {  	s30 =	sld [smem:$0x0];
	_ =	sdelay $0x2  }
0xb7: {  	s31 =	sshll.u32 s1, $0xD;
	s1 =	sshrl.u32 s1, $0x2  }
0xb8: {  	s3 =	sand.u32 $0x4000, s31;
	s1 =	sadd.s32 s1, s30  }
0xb9: {  	s0 =	sor.u32 s3, s0;
	s1 =	sshll.u32 s1, $0x11  }
0xba: {  	s0 =	sor.u32 s1, s0  }
0xbb: {  	s0 =	sadd.s32 $0x8F2B, s0  }
0xbc: {  	[sflag:s0] =	ssyncadd.remote.s32 $0x1  }
0xbd: {  	_ =	sfence.sel $0xFFFF  }
0xbe: {  	[dreg:$0x0] =	wrdreg $0xFFFFFFFF;
	(pc) =	sbr.abs _section_cstart, $3  }
0xbf: {  	[dreg:$0x1] =	wrdreg $0xFFFFFFFF  }
0xc0: {  	_ =	task.clear_ibuf [dreg:s6], $0x2FFFF;
	_ =	strace $0x9FFFFFFF  }
0xc1: {  	(tm) =	ssettm $0x7FFFFFFF  }
tec
execute0_lowered:
.L_overlay_start_1:
0x0: {  	(tag) =	ssettag $0x1  }
0x1: {  	s1 =	srdreg.scid  }
0x2: {  	s0 =	stileid.u32;
	s2 =	rddreg [dreg:$0x0];
	s6 =	simm.s32 $0x1  }
0x3: {  	s9 =	simm.s32 $0x1;
	s10 =	simm.s32 $0x3;
	s1 =	sshll.u32 s1, $0x9  }
0x4: {  	s13 =	simm.s32 $0x0;
	s3 =	sshll.u32 s0, $0xA;
	s4 =	sand.u32 $0x200, s1  }
0x5: {  	s12 =	simm.s32 $0x0;
	s5 =	sadd.s32 $0xA4400, s2;
	s3 =	sor.u32 s3, s4  }
0x6: {  	s1 =	rddreg [dreg:$0x1];
	_ =	strace $0x80000047;
	s8 =	ssub.s32 $0x5000, s3  }
.Ltmp0:
0x7: {  	s4 =	sadd.s32 $0x1400, s2;
	s7 =	sand.u32 $0x3E00, s8;
	(pc) =	sbr.rel .LBB2_1-.Ltmp0, $4  }
0x8: {  	[sflag:s6] =	ssyncpa.u1 $0x0;
	s11 =	smov.u32 s3;
	p0 =	sne.s32 s7, $0x0  }
0x9: {  	s8 =	sshrl.u32 s8, $0xE;
	s7 =	simm.s32 $0x2;
	s9 =	simm.s32 @!p0 $0x0  }
0xa: {  	[sflag:s7] =	ssyncpa.u1 $0x0;
	p0 =	por $0x0, $0x0;
	s8 =	sadd.s32 s9, s8  }
0xb: {  	vm0 =	vmmov $0xffff;
	[sflag:s10] =	ssyncpa.u1 $0x0;
	s10 =	simm.s32 $0x0;
	s9 =	sadd.s32 $0x1, s8  }
.LBB2_4:
0xc: {  	vm1 =	veq.s32 v4, $0x80000000;
	v56 =	vand.u32 $0x3, v4;
	v6 =	vand.u32 $0x1FFF, v6  }
0xd: {  	v2 =	vor.u32 v2, v5;
	v59 =	vshrl.u32 v1, $0x2;
	v60 =	vand.u32 $0x3, v1  }
0xe: {  	v4 =	vsel vm1, $0xFFFFFFFF, v56;
	v6 =	vsel vm1, $0xFFFFFFFF, v6;
	v2 =	vor.u32 v3, v2  }
0xf: {  	vm1 =	veq.s32 v1, $0x80000000;
	v5 =	vand.u32 $0x1FFF, v59;
	v7 =	vshrl.u32 v4, $0x2  }
0x10: {  	v57 =	vshll.u32 v6, $0x2;
	v4 =	vshll.u32 v4, $0x7;
	v1 =	vsel vm1, $0xFFFFFFFF, v60  }
0x11: {  	v5 =	vsel vm1, $0xFFFFFFFF, v5;
	v6 =	vand.u32 $0x7F, v6;
	v7 =	vmul.u32 $0x5000, v7  }
0x12: {  	v58 =	vand.u32 $0xFFFFFE00, v57;
	v4 =	vand.u32 $0x180, v4;
	v61 =	vshrl.u32 v1, $0x2  }
0x13: {  	v62 =	vshll.u32 v5, $0x2;
	v3 =	vadd.s32 v7, v58;
	v7 =	vmul.u32 $0x5000, v61  }
0x14: {  	v1 =	vshll.u32 v1, $0x7;
	v3 =	vor.u32 v4, v3;
	v4 =	vand.u32 $0xFFFFFE00, v62  }
0x15: {  	v1 =	vand.u32 $0x180, v1;
	v3 =	vor.u32 v6, v3;
	v4 =	vadd.s32 v7, v4  }
0x16: {  	[tilespmem:s16], [sflag:$0x1] =	stream.indirect_vreg.gather [hbm4b:s2+s10], $0x1, v0, vm0, $0x4038;
	v63 =	vand.u32 $0x7F, v5;
	v1 =	vor.u32 v1, v4;
	[tilespmem:$0x800] =	vst v63  }
0x17: {  	s15 =	sadd.s32 $0x10, s15;
	(ifvalue) =	ssetifvalue $0x7FFFFFFF;
	v0 =	vor.u32 v63, v1  }
0x18: {  	[tilespmem:s15], [sflag:$0x1] =	stream.indirect_vreg.gather [hbm4b:s2+s10], $0x1, v2, vm0, $0x4038;
	[tilespmem:$0x800] =	vst v63  }
0x19: {  	s15 =	sadd.s32 $0x10, s15;
	(ifvalue) =	ssetifvalue $0x7FFFFFFF  }
0x1a: {  	[tilespmem:s15], [sflag:$0x1] =	stream.indirect_vreg.gather [hbm4b:s2+s10], $0x1, v3, vm0, $0x4038;
	[tilespmem:$0x800] =	vst v63  }
0x1b: {  	s15 =	sadd.s32 $0x10, s15;
	(ifvalue) =	ssetifvalue $0x7FFFFFFF  }
0x1c: {  	[tilespmem:s15], [sflag:$0x1] =	stream.indirect_vreg.gather [hbm4b:s2+s10], $0x1, v0, vm0, $0x4038;
	[tilespmem:$0x800] =	vst v63  }
0x1d: {  	_ =	swait.ge [sflag:s6], $0x200  }
0x1e: {  	s30 =	sshrl.u32 s13, $0x3;
	[sflag:s6] =	ssyncset.done $0x0  }
0x1f: {  	s31 =	sand.u32 $0x7, s13;
	s15 =	sadd.s32 s5, s30;
	[sflag:s6] =	ssyncadd.s32 $0xFFFFFE00  }
0x20: {  	[hbm4b:s15+s31] =	stream.linear.scatter [tilespmem:s14], [sflag:$0x3], $0x200, $0x38;
	[tilespmem:$0x800] =	vst v63  }
.LBB2_5:
0x21: {  	s15 =	sadd.s32 $0x4000, s11  }
0x22: {  	p2 =	sgt.s32 s15, $0x4FFF  }
0x23: {  	s15 =	smov.u32 @p2 s3;
	p2 =	sne.s32 s12, s9  }
.Ltmp1:
0x24: {  	p1 =	slt.u32 s12, $0x2;
	(pc) =	sbr.rel @!p2 .LBB2_6-.Ltmp1, $4  }
0x25: {  	s14 =	simm.s32 @!p1 $0x3  }
0x26: {  	s16 =	sadd.s32 $0x1, s12;
	_ =	swait.ge @!p1 [sflag:s14], $0x200  }
0x27: {  	s13 =	smov.u32 s11;
	p0 =	por !p0, !p0;
	[sflag:s14] =	ssyncset.done @!p1 $0x0  }
0x28: {  	s12 =	smov.u32 s16;
	s11 =	smov.u32 s15;
	[sflag:s14] =	ssyncadd.s32 @!p1 $0xFFFFFE00  }
.LBB2_1:
0x29: {  	p1 =	sge.u32 s12, s8  }
0x2a: {  	s14 =	sxor.u32 @!p1 $0xFFFFFFFF, s12  }
0x2b: {  	s31 =	sadd.s32 $0xFFFFFFFF, s12;
	s15 =	sshrl.u32 @!p1 s11, $0x3;
	s14 =	sshll.u32 @!p1 s14, $0x9  }
0x2c: {  	s16 =	sand.u32 @!p1 $0x7, s11;
	s15 =	sadd.s32 @!p1 s4, s15;
	s14 =	sand.u32 @!p1 $0x200, s14  }
0x2d: {  	[tilespmem:s14], [sflag:$0x2] =	stream.linear.gather @!p1 [hbm4b:s15+s16], $0x200, $0x38;
	[tilespmem:$0x800] =	vst v63  }
0x2e: {  	p1 =	sge.u32 s31, s8  }
.Ltmp2:
0x2f: {  	_ = 	snop;
	(pc) =	sbr.rel @p1 .LBB2_5-.Ltmp2, $1  }
0x30: {  	_ =	sdelay $0x3  }
0x31: {  	s14 =	simm.s32 $0x1  }
0x32: {  	_ =	swait.ge [sflag:s7], $0x200;
	s14 =	simm.s32 @!p0 $0x0  }
0x33: {  	[sflag:s7] =	ssyncset.done $0x0;
	s14 =	sshll.u32 s14, $0x9  }
0x34: {  	[sflag:s7] =	ssyncadd.s32 $0xFFFFFE00;
	(ifvalue) =	ssetifvalue $0x7FFFFFFF;
	v0 =	vld.msk [tilespmem:s14+$0x0 ss:$0x1], $0xffff  }
0x35: {  	s15 =	sadd.s32 $0x10, s14  }
0x36: {  	v1 =	vld.msk [tilespmem:s15+$0x0 ss:$0x1], $0xffff;
	_ =	sdelay $0x2  }
0x37: {  	v2 =	vshrl.u32 v0, $0x2  }
0x38: {  	vm1 =	veq.s32 v0, $0x80000000;
	v0 =	vand.u32 $0x3, v0;
	v2 =	vand.u32 $0x1FFF, v2  }
0x39: {  	v0 =	vsel vm1, $0xFFFFFFFF, v0;
	v6 =	vshrl.u32 v1, $0x2;
	v2 =	vsel vm1, $0xFFFFFFFF, v2  }
0x3a: {  	v3 =	vshrl.u32 v0, $0x2;
	v0 =	vshll.u32 v0, $0x7;
	vm1 =	veq.s32 v1, $0x80000000  }
0x3b: {  	s15 =	sadd.s32 $0x10, s15;
	v1 =	vand.u32 $0x3, v1;
	v4 =	vshll.u32 v2, $0x2;
	v3 =	vmul.u32 $0x5000, v3  }
0x3c: {  	v0 =	vand.u32 $0x180, v0;
	v7 =	vand.u32 $0x7F, v2;
	v5 =	vand.u32 $0xFFFFFE00, v4;
	v4 =	vld.msk [tilespmem:s15+$0x0 ss:$0x1], $0xffff  }
0x3d: {  	v1 =	vsel vm1, $0xFFFFFFFF, v1;
	v2 =	vadd.s32 v3, v5;
	v3 =	vand.u32 $0x1FFF, v6  }
0x3e: {  	v3 =	vsel vm1, $0xFFFFFFFF, v3;
	v0 =	vor.u32 v0, v2;
	v2 =	vshrl.u32 v1, $0x2  }
0x3f: {  	s16 =	sshll.u32 s12, $0x9;
	s18 =	simm.s32 $0x30;
	v1 =	vshll.u32 v1, $0x7;
	v5 =	vshll.u32 v3, $0x2;
	v8 =	vmul.u32 $0x5000, v2  }
0x40: {  	s31 =	sand.u32 $0x200, s16;
	s17 =	sadd.s32 $0x10, s15;
	s15 =	sor.u32 $0x400, s14;
	v2 =	vand.u32 $0x180, v1;
	v0 =	vor.u32 v7, v0;
	v5 =	vand.u32 $0xFFFFFE00, v5  }
0x41: {  	s14 =	sor.u32 $0x400, s31;
	s16 =	smov.u32 s15;
	v1 =	vld.msk [tilespmem:s17+$0x0 ss:$0x1], $0xffff;
	v3 =	vand.u32 $0x7F, v3;
	(ifvalue) =	ssetifvalue $0x7FFFFFFF;
	v6 =	vshrl.u32 v4, $0x2;
	v5 =	vadd.s32 v8, v5  }
.LBB2_3:
0x42: {  	s18 =	sadd.s32 $0x10, s18  }
0x43: {  	vm1 =	veq.s32 v4, $0x80000000;
	v4 =	vand.u32 $0x3, v4;
	v6 =	vand.u32 $0x1FFF, v6;
	s15 =	sadd.s32 $0x10, s15;
	p1 =	slt.u32 s18, $0x1F0  }
.Ltmp3:
0x44: {  	v5 =	vor.u32 v2, v5;
	v4 =	vsel vm1, $0xFFFFFFFF, v4;
	v7 =	vsel vm1, $0xFFFFFFFF, v6;
	(pc) =	sbr.rel @p1 .LBB2_3-.Ltmp3, $4  }
0x45: {  	v2 =	vshrl.u32 v4, $0x2;
	v6 =	vshll.u32 v7, $0x2;
	v4 =	vshll.u32 v4, $0x7;
	[tilespmem:s16], [sflag:$0x1] =	stream.indirect_vreg.gather [hbm4b:s2+s10], $0x1, v0, vm0, $0x4038;
	[tilespmem:$0x800] =	vst v63  }
0x46: {  	v0 =	vor.u32 v3, v5;
	s16 =	smov.u32 s15;
	v8 =	vmul.u32 $0x5000, v2;
	v2 =	vand.u32 $0x180, v4  }
0x47: {  	s17 =	sadd.s32 $0x10, s17;
	v9 =	vand.u32 $0xFFFFFE00, v6  }
0x48: {  	v3 =	vand.u32 $0x7F, v7;
	v6 =	vshrl.u32 v1, $0x2;
	v5 =	vadd.s32 v8, v9;
	(ifvalue) =	ssetifvalue $0x7FFFFFFF;
	v4 =	vmovc v1;
	v1 =	vld.msk [tilespmem:s17+$0x0 ss:$0x1], $0xffff  }
.Ltmp4:
0x49: {  	_ = 	snop;
	(pc) =	sbr.rel .LBB2_4-.Ltmp4, $1  }
0x4a: {  	_ =	sdelay $0x3  }
.LBB2_6:
0x4b: {  	_ =	sfence.sel $0x180000  }
0x4c: {  	s2 =	simm.s32 $0x2;
	[bflag:$0x0] =	sbarrier.arrive $0xFFFF  }
0x4d: {  	s30 =	simm.s32 $0x3;
	[sflag:s2] =	ssyncpa.u1 $0x1  }
0x4e: {  	s31 =	simm.s32 $0x1;
	[sflag:s30] =	ssyncpa.u1 $0x1  }
0x4f: {  	[sflag:s31] =	ssyncpa.u1 $0x1  }
0x50: {  	p0 =	sne.s32 s0, $0x0;
	_ =	strace $0x90000047  }
0x51: {  	s0 =	sadd.s32 @!p0 $0x100000, s1;
	[bflag:$0x2] =	sbarrier.arrive $0xFFFF  }
0x52: {  	[sflag:s0] =	ssyncadd.tile.s32 @!p0 $0x1;
	_ =	shalt  }
.Lfunc_end2:
_tile_overlayer_lowered:
.L_overlay_start_2:
0x53: {  	(tag) =	ssettag $0x2  }
0x54: {  	s0 =	rddreg [dreg:$0x0];
	s2 =	stileid.u32  }
0x55: {  	s1 =	rddreg [dreg:$0x1];
	p0 =	sne.s32 s2, $0x0  }
0x56: {  	s3 =	rddreg [dreg:$0x2];
	[bflag:$0x3] =	sbarrier.arrive $0xFFFF;
	s2 =	simm.s32 @!p0 $0x1C01  }
0x57: {  	[timem:s3], [sflag:s2] =	dma.local @!p0 [hbm:s0], s1  }
0x58: {  	s0 =	simm.s32 @!p0 $0x1  }
0x59: {  	_ =	swait.ge @!p0 [sflag:s0], s1  }
0x5a: {  	s1 =	ssub.s32 @!p0 $0x0, s1;
	[sflag:s0] =	ssyncset.done @!p0 $0x0  }
0x5b: {  	[sflag:s0] =	ssyncadd.s32 @!p0 s1  }
0x5c: {  	[bflag:$0x3] =	sbarrier.arrive $0xFFFF  }
0x5d: {  	_ =	shalt  }

// kernel: gather_offload_async_start
scs
__scs_entry_jumppad:
0x0: {  	(pc) =	sbr.rel $0x88, $3  }
0x1: {  	(tag) =	ssettag $0x0;
	lr =	simm.s32 $0x1  }
0x2: {  	[smem:$0x3F9F] =	sst lr;
	_ =	strace $0xD0000000  }
0x3: {  	_ = 	snop  }
0x4: {  	_ = 	snop  }
0x5: {  	_ = 	snop  }
0x6: {  	_ = 	snop  }
0x7: {  	_ = 	snop  }
__scs_overlays_trampoline_lowered:
0x8: {  	[smem:$0x3FAE] =	sst s0  }
0x9: {  	[smem:$0x3FAF] =	sst s1  }
0xa: {  	[smem:$0x3FB0] =	sst s2  }
0xb: {  	[smem:$0x3FB1] =	sst s3  }
0xc: {  	[smem:$0x3FB2] =	sst s4  }
0xd: {  	[smem:$0x3FB3] =	sst s5  }
0xe: {  	[smem:$0x3FB4] =	sst s6  }
0xf: {  	[smem:$0x3FB5] =	sst s7  }
0x10: {  	[smem:$0x3FB6] =	sst s8  }
0x11: {  	[smem:$0x3FB7] =	sst s9;
	s0 =	simm.s32 @!p0 $0x0  }
0x12: {  	s1 =	sld [smem:$0x3F9D];
	s0 =	simm.s32 @p0 $0x1  }
0x13: {  	[smem:$0x3FB8] =	sst s0;
	s0 =	simm.s32 @!p1 $0x0  }
0x14: {  	s2 =	sld [smem:$0x3F9C];
	s0 =	simm.s32 @p1 $0x1  }
0x15: {  	[smem:$0x3FB9] =	sst s0;
	s0 =	simm.s32 @!p2 $0x0  }
0x16: {  	s3 =	sld [smem:$0x3FDB];
	s0 =	simm.s32 @p2 $0x1  }
0x17: {  	s4 =	simm.s32 $0x1BF5;
	[smem:$0x3FBB] =	sst s0  }
0x18: {  	s0 =	sld [smem:$0x3F9E];
	_ =	swait.ge [sflag:s4], $0x0  }
0x19: {  	s7 =	sld [smem:$0x3F9F]  }
0x1a: {  	s8 =	sadd.s32 $0xFFFFE003, lr  }
0x1b: {  	s9 =	sadd.s32 $0xFFFFFEF7, lr;
	s5 =	simm.s32 $0xFFFFFFFF;
	p2 =	slt.u32 s8, $0xFFFFF086  }
0x1c: {  	p1 =	slt.u32 s9, $0xF7A;
	s5 =	simm.s32 @!p2 $0x0  }
0x1d: {  	s5 =	simm.s32 @p1 $0x1;
	p0 =	seq.s32 s7, s2  }
0x1e: {  	s7 =	smul.u32 @!p0 $0xF7A, s2;
	p2 =	seq.s32 @!p0 s5, $0x0  }
0x1f: {  	s9 =	smul.u32 $0xF7A, s1;
	s8 =	simm.s32 @!p0 $0x1BF5;
	p2 =	por !p2, p0  }
0x20: {  	[sflag:s8] =	ssyncset.s32 @!p0 $0xFFFFF086;
	s6 =	sadd.s32 @!p0 s3, s7;
	s7 =	simm.s32 @!p0 $0x108  }
0x21: {  	s3 =	sadd.s32 s3, s9;
	s6 =	sadd.s32 @!p0 $0x88, s6;
	s7 =	simm.s32 @p2 $0x1082  }
0x22: {  	[simem:s7], [sflag:s8] =	dma.local @!p0 [hbm:s6], $0xF7A  }
0x23: {  	s9 =	sor.u32 $0xD0000000, s2;
	s6 =	simm.s32 $0x108;
	_ =	swait.ge @!p0 [sflag:s8], $0x0  }
0x24: {  	s3 =	sadd.s32 $0x88, s3;
	s6 =	simm.s32 @!p1 $0x1082;
	[sflag:s4] =	ssyncset.s32 $0xFFFFF086  }
0x25: {  	[simem:s6], [sflag:s4] =	dma.local [hbm:s3], $0xF7A  }
0x26: {  	[smem:$0x3F9F] =	sst s1;
	(tag) =	ssettag s2;
	_ =	strace s9  }
0x27: {  	s1 =	sld [smem:$0x3FAF]  }
0x28: {  	s2 =	sld [smem:$0x3FB0]  }
0x29: {  	s4 =	sld [smem:$0x3FB2]  }
0x2a: {  	p0 =	seq.s32 s5, $0x0;
	s5 =	sld [smem:$0x3FB3]  }
0x2b: {  	s6 =	sld [smem:$0x3FB4]  }
0x2c: {  	s7 =	sld [smem:$0x3FB5]  }
0x2d: {  	s3 =	simm.s32 $0x108;
	s8 =	sld [smem:$0x3FB6]  }
0x2e: {  	s3 =	simm.s32 @!p0 $0x1082;
	s9 =	sld [smem:$0x3FB7]  }
0x2f: {  	lr =	sadd.s32 s0, s3;
	s0 =	sld [smem:$0x3FAE]  }
0x30: {  	s3 =	sld [smem:$0x3FB1]  }
0x31: {  	[smem:$0x3FBA] =	sst s10  }
0x32: {  	s10 =	sld [smem:$0x3FB8];
	_ =	sdelay $0x3  }
0x33: {  	p0 =	seq.s32 s10, $0x1;
	s10 =	sld [smem:$0x3FBA];
	_ =	sdelay $0x3  }
0x34: {  	[smem:$0x3FBA] =	sst s10  }
0x35: {  	s10 =	sld [smem:$0x3FB9];
	_ =	sdelay $0x3  }
0x36: {  	p1 =	seq.s32 s10, $0x1;
	s10 =	sld [smem:$0x3FBA];
	_ =	sdelay $0x3  }
0x37: {  	[smem:$0x3FBA] =	sst s10  }
0x38: {  	s10 =	sld [smem:$0x3FBB]  }
0x39: {  	_ = 	snop;
	(pc) =	sbr.ind lr, $3  }
0x3a: {  	_ = 	snop  }
0x3b: {  	_ = 	snop  }
0x3c: {  	p2 =	seq.s32 s10, $0x1;
	s10 =	sld [smem:$0x3FBA]  }
0x3d: {  	_ =	shalt  }
0x3e: {  	_ =	shalt  }
0x3f: {  	_ =	shalt  }
0x40: {  	_ =	shalt  }
0x41: {  	_ =	shalt  }
0x42: {  	_ =	shalt  }
0x43: {  	_ =	shalt  }
0x44: {  	_ =	shalt  }
0x45: {  	_ =	shalt  }
0x46: {  	_ =	shalt  }
0x47: {  	_ =	shalt  }
0x48: {  	_ =	shalt  }
0x49: {  	_ =	shalt  }
0x4a: {  	_ =	shalt  }
0x4b: {  	_ =	shalt  }
0x4c: {  	_ =	shalt  }
0x4d: {  	_ =	shalt  }
0x4e: {  	_ =	shalt  }
0x4f: {  	_ =	shalt  }
0x50: {  	_ =	shalt  }
0x51: {  	_ =	shalt  }
0x52: {  	_ =	shalt  }
0x53: {  	_ =	shalt  }
0x54: {  	_ =	shalt  }
0x55: {  	_ =	shalt  }
0x56: {  	_ =	shalt  }
0x57: {  	_ =	shalt  }
0x58: {  	_ =	shalt  }
0x59: {  	_ =	shalt  }
0x5a: {  	_ =	shalt  }
0x5b: {  	_ =	shalt  }
0x5c: {  	_ =	shalt  }
0x5d: {  	_ =	shalt  }
0x5e: {  	_ =	shalt  }
0x5f: {  	_ =	shalt  }
0x60: {  	_ =	shalt  }
0x61: {  	_ =	shalt  }
0x62: {  	_ =	shalt  }
0x63: {  	_ =	shalt  }
0x64: {  	_ =	shalt  }
0x65: {  	_ =	shalt  }
0x66: {  	_ =	shalt  }
0x67: {  	_ =	shalt  }
0x68: {  	_ =	shalt  }
0x69: {  	_ =	shalt  }
0x6a: {  	_ =	shalt  }
0x6b: {  	_ =	shalt  }
0x6c: {  	_ =	shalt  }
0x6d: {  	_ =	shalt  }
0x6e: {  	_ =	shalt  }
0x6f: {  	_ =	shalt  }
0x70: {  	_ =	shalt  }
0x71: {  	_ =	shalt  }
0x72: {  	_ =	shalt  }
0x73: {  	_ =	shalt  }
0x74: {  	_ =	shalt  }
0x75: {  	_ =	shalt  }
0x76: {  	_ =	shalt  }
0x77: {  	_ =	shalt  }
0x78: {  	_ =	shalt  }
0x79: {  	_ =	shalt  }
0x7a: {  	_ =	shalt  }
0x7b: {  	_ =	shalt  }
0x7c: {  	_ =	shalt  }
0x7d: {  	_ =	shalt  }
0x7e: {  	_ =	shalt  }
0x7f: {  	_ =	shalt  }
0x80: {  	_ =	shalt  }
0x81: {  	_ =	shalt  }
0x82: {  	_ =	shalt  }
0x83: {  	_ =	shalt  }
0x84: {  	_ =	shalt  }
0x85: {  	_ =	shalt  }
0x86: {  	_ =	shalt  }
0x87: {  	_ =	shalt  }
.Lfunc_end0:
.L_simem_size_0:
called_computation_lowered:
.L_overlay_start_0:
0x88: {  	s2 =	sld [smem:$0x3FD9]  }
0x89: {  	s3 =	sld [smem:$0x3FFE];
	_ =	sdelay $0x1  }
0x8a: {  	s1 =	srdreg.scid  }
0x8b: {  	s0 =	sand.u32 $0x1, s1  }
0x8c: {  	s16 =	sshll.u32 s0, $0xA;
	s2 =	sadd.s32 s3, s2  }
0x8d: {  	s2 =	sadd.s32 s2, s16  }
0x8e: {  	[smem:$0x3FC6] =	sst s2  }
0x8f: {  	_ = 	snop  }
0x90: {  	(tm) =	ssettm $0x1  }
0x91: {  	s17 =	sld [smem:$0x3FFB];
	_ =	sdelay $0x3  }
0x92: {  	_ =	strace s17  }
0x93: {  	s2 =	sld [smem:$0x3FFC];
	_ =	sdelay $0x3  }
0x94: {  	_ =	strace s2  }
0x95: {  	s2 =	sld [smem:$0x3FFD];
	_ =	sdelay $0x3  }
0x96: {  	_ =	strace s2  }
0x97: {  	_ =	strace $0x8FFFFFFF  }
0x98: {  	s18 =	sld [smem:$0x3FDB];
	_ =	sdelay $0x1  }
0x99: {  	s19 =	simm.s32 $_scs_section_size  }
0x9a: {  	s4 =	simm.s32 $_size__tile_overlayer_lowered;
	s5 =	simm.s32 $_tile_overlayer_lowered  }
0x9b: {  	s22 =	simm.s32 $0x1BFF;
	s21 =	sshll.u32 s5, $0x1;
	s2 =	sadd.s32 s19, s18  }
0x9c: {  	s6 =	simm.s32 $0x0;
	s20 =	sshll.u32 s4, $0x1;
	s4 =	sadd.s32 s21, s2  }
0x9d: {  	[timem:s6], [sflag:s22] =	dma.local [hbm:s4], s20  }
0x9e: {  	_ =	swait.ge [sflag:s22], s20  }
0x9f: {  	s3 =	ssub.s32 $0x0, s20;
	[sflag:s22] =	ssyncset.done $0x0  }
0xa0: {  	[sflag:s22] =	ssyncadd.s32 s3;
	_ =	sdelay $0x1  }
0xa1: {  	s23 =	simm.s32 $0x1B8B  }
0xa2: {  	_ =	swait.ge [sflag:s23], $0x1  }
0xa3: {  	[sflag:s23] =	ssyncset.done $0x0  }
0xa4: {  	s25 =	simm.s32 $0x1B8E;
	s24 =	sld [smem:$0x3FFE];
	[sflag:s23] =	ssyncadd.s32 $0xFFFFFFFF  }
0xa5: {  	s26 =	simm.s32 $execute0_lowered;
	[smem:$0x3FD2] =	sst s25  }
0xa6: {  	s4 =	sshll.u32 s26, $0x1;
	_ =	strace $0x8000004F;
	[dreg:$0x1] =	wrdreg $0xFFFFFFFF  }
0xa7: {  	s28 =	simm.s32 $_size_execute0_lowered;
	s2 =	sadd.s32 s2, s4;
	[dreg:$0x0] =	wrdreg $0x0  }
0xa8: {  	s4 =	sshll.u32 s28, $0x1;
	[dreg:$0x2] =	wrdreg s2  }
0xa9: {  	[dreg:$0x3] =	wrdreg s4  }
0xaa: {  	[dreg:$0x4] =	wrdreg $0xC0  }
0xab: {  	_ =	task [dreg:s6], $0x5FFFF  }
0xac: {  	[dreg:$0x1] =	wrdreg $0xFFFFFFFF  }
0xad: {  	[dreg:$0x0] =	wrdreg $0x60  }
0xae: {  	[dreg:$0x2] =	wrdreg s24  }
0xaf: {  	[dreg:$0x3] =	wrdreg $0x9  }
0xb0: {  	_ =	task.clear_ibuf [dreg:s6], $0x4FFFF;
	_ =	strace $0x9000004F  }
0xb1: {  	s29 =	simm.s32 $0x9;
	_ =	strace $0x80000051  }
0xb2: {  	_ =	swait.ge [sflag:s29], $0x1  }
0xb3: {  	[sflag:s29] =	ssyncadd.s32 $0xFFFFFFFF  }
0xb4: {  	_ =	strace $0x90000051  }
0xb5: {  	_ =	sfence  }
0xb6: {  	s30 =	sld [smem:$0x0];
	_ =	sdelay $0x2  }
0xb7: {  	s31 =	sshll.u32 s1, $0xD;
	s1 =	sshrl.u32 s1, $0x2  }
0xb8: {  	s3 =	sand.u32 $0x4000, s31;
	s1 =	sadd.s32 s1, s30  }
0xb9: {  	s0 =	sor.u32 s3, s0;
	s1 =	sshll.u32 s1, $0x11  }
0xba: {  	s0 =	sor.u32 s1, s0  }
0xbb: {  	s0 =	sadd.s32 $0x8F2B, s0  }
0xbc: {  	[sflag:s0] =	ssyncadd.remote.s32 $0x1  }
0xbd: {  	_ =	sfence.sel $0xFFFF  }
0xbe: {  	[dreg:$0x0] =	wrdreg $0xFFFFFFFF;
	(pc) =	sbr.abs _section_cstart, $3  }
0xbf: {  	[dreg:$0x1] =	wrdreg $0xFFFFFFFF  }
0xc0: {  	_ =	task.clear_ibuf [dreg:s6], $0x2FFFF;
	_ =	strace $0x9FFFFFFF  }
0xc1: {  	(tm) =	ssettm $0x7FFFFFFF  }
tec
execute0_lowered:
.L_overlay_start_1:
0x0: {  	(tag) =	ssettag $0x1  }
0x1: {  	s0 =	srdreg.scid  }
0x2: {  	s1 =	sshll.u32 s0, $0x4  }
0x3: {  	s0 =	stileid.u32;
	s1 =	sand.u32 $0x10, s1  }
0x4: {  	s2 =	sor.u32 s0, s1  }
0x5: {  	s3 =	smin.u32 s2, $0x10  }
0x6: {  	s1 =	sshll.u32 s1, $0x4;
	s2 =	sshll.u32 s2, $0x9;
	s3 =	sshll.u32 s3, $0x8  }
0x7: {  	s9 =	rddreg [dreg:$0x0];
	s1 =	sxor.u32 $0x300, s1;
	s2 =	sadd.s32 s2, s3  }
0x8: {  	s6 =	simm.s32 $0x1;
	s7 =	simm.s32 $0x2;
	s1 =	sadd.s32 s1, s2  }
0x9: {  	s10 =	simm.s32 $0x3;
	s13 =	simm.s32 $0x0;
	s3 =	smin.u32 s1, $0x5000  }
0xa: {  	s12 =	simm.s32 $0x0;
	s4 =	sadd.s32 $0x4400, s9;
	s8 =	ssub.s32 s3, s2  }
.Ltmp0:
0xb: {  	s5 =	sadd.s32 $0x3200, s9;
	p0 =	sgt.s32 s8, $0x0;
	(pc) =	sbr.rel .LBB2_1-.Ltmp0, $4  }
0xc: {  	s1 =	rddreg [dreg:$0x1];
	_ =	strace $0x80000050;
	s8 =	simm.s32 @!p0 $0x0  }
0xd: {  	s9 =	sadd.s32 $0x54400, s9;
	[sflag:s6] =	ssyncpa.u1 $0x0;
	s8 =	sadd.s32 $0xFF, s8  }
0xe: {  	s11 =	smov.u32 s2;
	[sflag:s7] =	ssyncpa.u1 $0x0;
	s8 =	sshrl.u32 s8, $0x8  }
0xf: {  	vm0 =	vmmov $0xff;
	vm1 =	vcmask $0x3F20;
	[sflag:s10] =	ssyncpa.u1 $0x0;
	p0 =	por $0x0, $0x0;
	s10 =	sadd.s32 $0x1, s8  }
.LBB2_6:
0x10: {  	[hbm:s17] =	stream.linear.scatter [tilespmem:s14], [sflag:$0x3], $0x400, $0x38;
	[tilespmem:$0x10200] =	vst v63  }
.LBB2_7:
0x11: {  	s13 =	sadd.s32 $0x100, s11  }
0x12: {  	s15 =	smov.u32 s2;
	p2 =	slt.s32 s13, s3  }
0x13: {  	s15 =	smov.u32 @p2 s13;
	p2 =	sne.s32 s12, s10  }
.Ltmp1:
0x14: {  	p1 =	slt.u32 s12, $0x2;
	(pc) =	sbr.rel @!p2 .LBB2_8-.Ltmp1, $4  }
0x15: {  	s14 =	simm.s32 @!p1 $0x3  }
0x16: {  	s16 =	sadd.s32 $0x1, s12;
	_ =	swait.ge @!p1 [sflag:s14], $0x8000  }
0x17: {  	p0 =	por !p0, !p0;
	s13 =	smov.u32 s11;
	[sflag:s14] =	ssyncset.done @!p1 $0x0  }
0x18: {  	s12 =	smov.u32 s16;
	s11 =	smov.u32 s15;
	[sflag:s14] =	ssyncadd.s32 @!p1 $0xFFFF8000  }
.LBB2_1:
0x19: {  	p1 =	sge.u32 s12, s8  }
0x1a: {  	s14 =	sxor.u32 @!p1 $0xFFFFFFFF, s12  }
0x1b: {  	s31 =	sadd.s32 $0xFFFFFFFF, s12;
	s15 =	sshrl.u32 @!p1 s11, $0x3;
	s14 =	sshll.u32 @!p1 s14, $0x8  }
0x1c: {  	s16 =	sand.u32 @!p1 $0x7, s11;
	s15 =	sadd.s32 @!p1 s5, s15;
	s14 =	sand.u32 @!p1 $0x100, s14  }
0x1d: {  	[tilespmem:s14], [sflag:$0x2] =	stream.linear.gather @!p1 [hbm4b:s15+s16], $0x100, $0x38;
	[tilespmem:$0x10200] =	vst v63  }
0x1e: {  	p1 =	sge.u32 s31, s8  }
.Ltmp2:
0x1f: {  	_ = 	snop;
	(pc) =	sbr.rel @p1 .LBB2_7-.Ltmp2, $1  }
0x20: {  	_ =	sdelay $0x3  }
0x21: {  	s14 =	simm.s32 $0x1  }
0x22: {  	_ =	swait.ge [sflag:s7], $0x100;
	s14 =	simm.s32 @!p0 $0x0  }
0x23: {  	[sflag:s7] =	ssyncset.done $0x0;
	s16 =	sshll.u32 s14, $0x8  }
0x24: {  	[sflag:s7] =	ssyncadd.s32 $0xFFFFFF00;
	s15 =	sadd.s32 $0x0, s16  }
0x25: {  	v0 =	vld.msk [tilespmem:s15+$0x0 ss:$0x1], $0xffff;
	_ =	sdelay $0x4  }
0x26: {  	v1 =	vand.u32 $0x3, v0;
	v2 =	vshll.u32 v0, $0x5  }
0x27: {  	vm2 =	veq.s32 v0, $0x80000000;
	v0 =	vmul.u32 $0xA0000, v1;
	v1 =	vand.u32 $0xFFF80, v2  }
0x28: {  	v1 =	vsel vm2, $0xFFFFFF80, v1  }
0x29: {  	v0 =	vsel vm2, $0xFFF60000, v0;
	v2 =	vand.u32 $0xFFFFFC00, v1  }
0x2a: {  	v1 =	vand.u32 $0x380, v1;
	v0 =	vadd.s32 v0, v2  }
0x2b: {  	v0 =	vor.u32 v1, v0  }
0x2c: {  	v0 =	vshrl.u32 v0, $0x3;
	_ =	sdelay $0x2  }
0x2d: {  	s14 =	sshll.u32 s14, $0xF  }
0x2e: {  	s14 =	sor.u32 $0x200, s14  }
0x2f: {  	[tilespmem:s14], [sflag:$0x1] =	stream.indirect_vreg.gather [hbm:s4], $0x80, v0, vm0, $0x38;
	[tilespmem:$0x10200] =	vst v63  }
0x30: {  	s17 =	sadd.s32 $0x10, s16;
	s15 =	sadd.s32 $0x400, s14  }
0x31: {  	[tilespmem:s15], [sflag:$0x1] =	stream.indirect_vreg.gather [hbm:s4], $0x80, v0, vm1, $0x38;
	[tilespmem:$0x10200] =	vst v63  }
0x32: {  	s18 =	simm.s32 $0x80;
	v0 =	vld.msk [tilespmem:s17+$0x0 ss:$0x1], $0xffff;
	s17 =	smov.u32 s14  }
.LBB2_3:
0x33: {  	p1 =	sne.s32 s18, $0x3C0;
	_ =	sdelay $0x4  }
0x34: {  	v1 =	vand.u32 $0x3, v0;
	v2 =	vshll.u32 v0, $0x5  }
0x35: {  	vm2 =	veq.s32 v0, $0x80000000;
	v0 =	vmul.u32 $0xA0000, v1;
	v1 =	vand.u32 $0xFFF80, v2  }
0x36: {  	v1 =	vsel vm2, $0xFFFFFF80, v1  }
0x37: {  	v0 =	vsel vm2, $0xFFF60000, v0;
	v2 =	vand.u32 $0xFFFFFC00, v1  }
0x38: {  	v1 =	vand.u32 $0x380, v1;
	v0 =	vadd.s32 v0, v2  }
0x39: {  	v0 =	vor.u32 v1, v0  }
0x3a: {  	v0 =	vshrl.u32 v0, $0x3;
	_ =	sdelay $0x3  }
.Ltmp3:
0x3b: {  	s19 =	sshra.s32 s18, $0x2;
	s17 =	sadd.s32 $0x800, s17;
	(pc) =	sbr.rel @p1 .LBB2_3-.Ltmp3, $4  }
0x3c: {  	[tilespmem:s17], [sflag:$0x1] =	stream.indirect_vreg.gather [hbm:s4], $0x80, v0, vm0, $0x38;
	[tilespmem:$0x10200] =	vst v63  }
0x3d: {  	s19 =	sadd.s32 s19, s16;
	s20 =	sadd.s32 $0x400, s17  }
0x3e: {  	[tilespmem:s20], [sflag:$0x1] =	stream.indirect_vreg.gather [hbm:s4], $0x80, v0, vm1, $0x38;
	[tilespmem:$0x10200] =	vst v63  }
0x3f: {  	s18 =	sadd.s32 $0x40, s18;
	v0 =	vld.msk [tilespmem:s19+$0x0 ss:$0x1], $0xffff  }
0x40: {  	_ =	sdelay $0x3  }
0x41: {  	v1 =	vand.u32 $0x3, v0;
	v2 =	vshll.u32 v0, $0x5  }
0x42: {  	vm2 =	veq.s32 v0, $0x80000000;
	v61 =	vmul.u32 $0xA0000, v1;
	v62 =	vand.u32 $0xFFF80, v2  }
0x43: {  	v1 =	vsel vm2, $0xFFFFFF80, v62  }
0x44: {  	v0 =	vsel vm2, $0xFFF60000, v61;
	v63 =	vand.u32 $0xFFFFFC00, v1  }
0x45: {  	v1 =	vand.u32 $0x380, v1;
	v0 =	vadd.s32 v0, v63  }
0x46: {  	v0 =	vor.u32 v1, v0  }
0x47: {  	v0 =	vshrl.u32 v0, $0x3;
	_ =	sdelay $0x3  }
0x48: {  	s16 =	sadd.s32 $0x800, s17  }
0x49: {  	[tilespmem:s16], [sflag:$0x1] =	stream.indirect_vreg.gather [hbm:s4], $0x80, v0, vm0, $0x38;
	[tilespmem:$0x10200] =	vst v63  }
0x4a: {  	s16 =	sadd.s32 $0x400, s16  }
0x4b: {  	[tilespmem:s16], [sflag:$0x1] =	stream.indirect_vreg.gather [hbm:s4], $0x80, v0, vm1, $0x38;
	[tilespmem:$0x10200] =	vst v63  }
0x4c: {  	s13 =	sshll.u32 s13, $0x4;
	_ =	swait.ge [sflag:s6], $0x8000  }
0x4d: {  	s13 =	sadd.s32 s13, s9;
	[sflag:s6] =	ssyncset.done $0x0  }
0x4e: {  	s17 =	sadd.s32 $0x0, s13;
	s16 =	simm.s32 $0x80;
	[sflag:s6] =	ssyncadd.s32 $0xFFFF8000  }
.LBB2_5:
0x4f: {  	[hbm:s17] =	stream.linear.scatter [tilespmem:s14], [sflag:$0x3], $0x400, $0x38;
	[tilespmem:$0x10200] =	vst v63  }
0x50: {  	s17 =	smov.u32 s16;
	s14 =	smov.u32 s15;
	p1 =	sne.s32 s16, $0xF80  }
.Ltmp4:
0x51: {  	s16 =	sadd.s32 $0x80, s16;
	(pc) =	sbr.rel @p1 .LBB2_5-.Ltmp4, $2  }
0x52: {  	_ =	sdelay $0x2  }
0x53: {  	s15 =	sadd.s32 $0x400, s15;
	s17 =	sadd.s32 s17, s13  }
.Ltmp5:
0x54: {  	_ = 	snop;
	(pc) =	sbr.rel .LBB2_6-.Ltmp5, $1  }
0x55: {  	_ =	sdelay $0x3  }
.LBB2_8:
0x56: {  	_ =	sfence.sel $0x180000  }
0x57: {  	s2 =	simm.s32 $0x2;
	[bflag:$0x0] =	sbarrier.arrive $0xFFFF  }
0x58: {  	s30 =	simm.s32 $0x3;
	[sflag:s2] =	ssyncpa.u1 $0x1  }
0x59: {  	s31 =	simm.s32 $0x1;
	[sflag:s30] =	ssyncpa.u1 $0x1  }
0x5a: {  	[sflag:s31] =	ssyncpa.u1 $0x1  }
0x5b: {  	p0 =	sne.s32 s0, $0x0;
	_ =	strace $0x90000050  }
0x5c: {  	s0 =	sadd.s32 @!p0 $0x100000, s1;
	[bflag:$0x2] =	sbarrier.arrive $0xFFFF  }
0x5d: {  	[sflag:s0] =	ssyncadd.tile.s32 @!p0 $0x1;
	_ =	shalt  }
.Lfunc_end2:
_tile_overlayer_lowered:
.L_overlay_start_2:
0x5e: {  	(tag) =	ssettag $0x2  }
0x5f: {  	s0 =	rddreg [dreg:$0x0];
	s2 =	stileid.u32  }
0x60: {  	s1 =	rddreg [dreg:$0x1];
	p0 =	sne.s32 s2, $0x0  }
0x61: {  	s3 =	rddreg [dreg:$0x2];
	[bflag:$0x3] =	sbarrier.arrive $0xFFFF;
	s2 =	simm.s32 @!p0 $0x1C01  }
0x62: {  	[timem:s3], [sflag:s2] =	dma.local @!p0 [hbm:s0], s1  }
0x63: {  	s0 =	simm.s32 @!p0 $0x1  }
0x64: {  	_ =	swait.ge @!p0 [sflag:s0], s1  }
0x65: {  	s1 =	ssub.s32 @!p0 $0x0, s1;
	[sflag:s0] =	ssyncset.done @!p0 $0x0  }
0x66: {  	[sflag:s0] =	ssyncadd.s32 @!p0 s1  }
0x67: {  	[bflag:$0x3] =	sbarrier.arrive $0xFFFF  }
0x68: {  	_ =	shalt  }

</sc_bundles>
